<compile_context>
chip_gen: v7x
topology: tpu7x:2x2x1
jax: 0.10.2.dev20260603
libtpu: 0.0.44.dev20260713+nightly
codegen_flags: <defaults>
</compile_context>

<pallas_src>
import functools

import jax
import jax.numpy as jnp
from jax import lax
from jax.experimental import pallas as pl
from jax.experimental.pallas import tpu as pltpu
from jax.experimental.pallas import tpu_sc as plsc

N = 10000
E = 320000
NC = 2
NS = 16
C = 128
NCH = E // C
K = 80
TFULL = NCH // K
KLAST = NCH - TFULL * K
ND = K + 4 - KLAST
KB = K + 4
RPT = 632
NP = RPT * NS
DW = 8
GRID = 2
BR = NP // GRID

_mesh = plsc.VectorSubcoreMesh(core_axis_name="c", subcore_axis_name="s")


def _stage_indices(eic, dummy, idx, w):
  @pl.when(w < TFULL)
  def _():
    pltpu.sync_copy(eic.at[pl.ds(w * K, K)], idx.at[pl.ds(0, K)])
    pltpu.sync_copy(dummy.at[pl.ds(0, 4)], idx.at[pl.ds(K, 4)])

  @pl.when(w == TFULL)
  def _():
    pltpu.sync_copy(eic.at[pl.ds(TFULL * K, KLAST)], idx.at[pl.ds(0, KLAST)])
    pltpu.sync_copy(dummy, idx.at[pl.ds(KLAST, ND)])


def _sc_agg(width):

  @functools.partial(
      pl.kernel,
      out_type=jax.ShapeDtypeStruct((NC, NP, width), jnp.float32),
      mesh=_mesh,
      compiler_params=pltpu.CompilerParams(use_tc_tiling_on_sc=False),
      scratch_types=[
          pltpu.VMEM_SHARED((NP, width), jnp.float32),
          pltpu.VMEM_SHARED((NP, width), jnp.float32),
          pltpu.VMEM((KB, 2, C), jnp.int32),
          pltpu.VMEM((C, width), jnp.float32),
          pltpu.VMEM((C, width), jnp.float32),
          pltpu.SemaphoreType.DMA,
          pltpu.SemaphoreType.DMA,
      ],
  )
  def agg(g_hbm, eic, dummy, zeros_hbm, out_hbm,
          acc, gsp, idx, rows0, rows1, sem0, sem1):
    c = lax.axis_index("c")
    s = lax.axis_index("s")
    w = c * NS + s
    row0 = s * RPT
    pltpu.sync_copy(zeros_hbm.at[pl.ds(row0, RPT)], acc.at[pl.ds(row0, RPT)])
    pltpu.sync_copy(g_hbm.at[pl.ds(row0, RPT)], gsp.at[pl.ds(row0, RPT)])
    _stage_indices(eic, dummy, idx, w)
    plsc.subcore_barrier()

    pltpu.async_copy(gsp.at[idx.at[0, 0]], rows0, sem0)

    def body(j):
      pltpu.async_copy(gsp.at[idx.at[j + 1, 0]], rows1, sem1)
      pltpu.make_async_copy(gsp.at[idx.at[j, 0]], rows0, sem0).wait()
      pltpu.sync_copy(rows0, acc.at[idx.at[j, 1]], add=True)
      pltpu.async_copy(gsp.at[idx.at[j + 2, 0]], rows0, sem0)
      pltpu.make_async_copy(gsp.at[idx.at[j + 1, 0]], rows1, sem1).wait()
      pltpu.sync_copy(rows1, acc.at[idx.at[j + 1, 1]], add=True)

    pl.loop(0, K, step=2)(body)
    pltpu.make_async_copy(gsp.at[idx.at[0, 0]], rows0, sem0).wait()

    plsc.subcore_barrier()
    pltpu.sync_copy(acc.at[pl.ds(row0, RPT)],
                    out_hbm.at[c, pl.ds(row0, RPT)])

  return agg


def _sc_degree():

  @functools.partial(
      pl.kernel,
      out_type=jax.ShapeDtypeStruct((NC, NP, DW), jnp.float32),
      mesh=_mesh,
      compiler_params=pltpu.CompilerParams(use_tc_tiling_on_sc=False),
      scratch_types=[
          pltpu.VMEM_SHARED((NP, DW), jnp.float32),
          pltpu.VMEM((KB, 2, C), jnp.int32),
          pltpu.VMEM((C, DW), jnp.float32),
      ],
  )
  def deg(eic, dummy, ones_hbm, zeros_hbm, out_hbm, acc, idx, ones_v):
    c = lax.axis_index("c")
    s = lax.axis_index("s")
    w = c * NS + s
    row0 = s * RPT
    pltpu.sync_copy(zeros_hbm.at[pl.ds(row0, RPT)], acc.at[pl.ds(row0, RPT)])
    pltpu.sync_copy(ones_hbm, ones_v)
    _stage_indices(eic, dummy, idx, w)
    plsc.subcore_barrier()

    def body(j):
      pltpu.sync_copy(ones_v, acc.at[idx.at[j, 1]], add=True)

    pl.loop(0, K)(body)

    plsc.subcore_barrier()
    pltpu.sync_copy(acc.at[pl.ds(row0, RPT)],
                    out_hbm.at[c, pl.ds(row0, RPT)])

  return deg


def _tc_matmul1(x_pad, w1):
  def body(x_ref, w_ref, o_ref):
    o_ref[...] = jnp.dot(x_ref[...], w_ref[...],
                         preferred_element_type=jnp.float32)
  return pl.pallas_call(
      body,
      grid=(GRID,),
      in_specs=[pl.BlockSpec((BR, 128), lambda i: (i, 0)),
                pl.BlockSpec((128, 16), lambda i: (0, 0))],
      out_specs=pl.BlockSpec((BR, 16), lambda i: (i, 0)),
      out_shape=jax.ShapeDtypeStruct((NP, 16), jnp.float32),
  )(x_pad, w1)


def _tc_scale(degp, h1):
  def body(d_ref, h_ref, g_ref, dinv_ref):
    deg = (d_ref[0] + d_ref[1])[:, 0:1] + 1.0
    dinv = lax.rsqrt(jnp.maximum(deg, 1.0))
    dinv_ref[...] = dinv
    g_ref[...] = h_ref[...] * dinv
  return pl.pallas_call(
      body,
      grid=(GRID,),
      in_specs=[pl.BlockSpec((2, BR, DW), lambda i: (0, i, 0)),
                pl.BlockSpec((BR, 16), lambda i: (i, 0))],
      out_specs=(pl.BlockSpec((BR, 16), lambda i: (i, 0)),
                 pl.BlockSpec((BR, 1), lambda i: (i, 0))),
      out_shape=(jax.ShapeDtypeStruct((NP, 16), jnp.float32),
                 jax.ShapeDtypeStruct((NP, 1), jnp.float32)),
  )(degp, h1)


def _tc_layer1_finish(p1, g1, dinv, b1_row, w2_pad):
  def body(p_ref, g_ref, dinv_ref, b_ref, w_ref, o_ref):
    acc = p_ref[0] + p_ref[1] + g_ref[...]
    s = jnp.maximum(acc * dinv_ref[...] + b_ref[...], 0.0)
    h2 = jnp.dot(s, w_ref[...], preferred_element_type=jnp.float32)
    o_ref[...] = h2 * dinv_ref[...]
  return pl.pallas_call(
      body,
      grid=(GRID,),
      in_specs=[pl.BlockSpec((2, BR, 16), lambda i: (0, i, 0)),
                pl.BlockSpec((BR, 16), lambda i: (i, 0)),
                pl.BlockSpec((BR, 1), lambda i: (i, 0)),
                pl.BlockSpec((1, 16), lambda i: (0, 0)),
                pl.BlockSpec((16, 8), lambda i: (0, 0))],
      out_specs=pl.BlockSpec((BR, 8), lambda i: (i, 0)),
      out_shape=jax.ShapeDtypeStruct((NP, 8), jnp.float32),
  )(p1, g1, dinv, b1_row, w2_pad)


def _tc_layer2_finish(p2, g2, dinv, b2_row):
  def body(p_ref, g_ref, dinv_ref, b_ref, o_ref):
    acc = p_ref[0] + p_ref[1] + g_ref[...]
    o = acc * dinv_ref[...] + b_ref[...]
    col = lax.broadcasted_iota(jnp.int32, o.shape, 1)
    o = jnp.where(col < 7, o, -jnp.inf)
    m = jnp.max(o, axis=1, keepdims=True)
    sh = o - m
    lse = jnp.log(jnp.sum(jnp.exp(sh), axis=1, keepdims=True))
    o_ref[...] = sh - lse
  return pl.pallas_call(
      body,
      grid=(GRID,),
      in_specs=[pl.BlockSpec((2, BR, 8), lambda i: (0, i, 0)),
                pl.BlockSpec((BR, 8), lambda i: (i, 0)),
                pl.BlockSpec((BR, 1), lambda i: (i, 0)),
                pl.BlockSpec((1, 8), lambda i: (0, 0))],
      out_specs=pl.BlockSpec((BR, 8), lambda i: (i, 0)),
      out_shape=jax.ShapeDtypeStruct((NP, 8), jnp.float32),
  )(p2, g2, dinv, b2_row)


def kernel(x, edge_index, W1, b1, W2, b2):
  eic = edge_index.reshape(2, NCH, C).transpose(1, 0, 2)
  dummy = jnp.full((ND, 2, C), N, dtype=jnp.int32)

  zeros16 = jnp.zeros((NP, 16), jnp.float32)
  zeros8 = jnp.zeros((NP, 8), jnp.float32)
  zerosd = jnp.zeros((NP, DW), jnp.float32)
  onesd = jnp.ones((C, DW), jnp.float32)

  x_pad = jnp.pad(x, ((0, NP - N), (0, 0)))
  w2_pad = jnp.pad(W2, ((0, 0), (0, 1)))
  b1_row = b1.reshape(1, 16)
  b2_row = jnp.pad(b2, (0, 1)).reshape(1, 8)

  degp = _sc_degree()(eic, dummy, onesd, zerosd)
  h1 = _tc_matmul1(x_pad, W1)
  g1, dinv = _tc_scale(degp, h1)
  p1 = _sc_agg(16)(g1, eic, dummy, zeros16)
  g2 = _tc_layer1_finish(p1, g1, dinv, b1_row, w2_pad)
  p2 = _sc_agg(8)(g2, eic, dummy, zeros8)
  out = _tc_layer2_finish(p2, g2, dinv, b2_row)
  return out[:N, :7]

# --- scband reference (transcript-rebuilt; emitter-appended) ---
"""Pipeline reference for scband-net-16767552324115 (READ-ONLY COPY).

The authoritative reference and input builder live on the scoring server;
editing this copy changes nothing except your own understanding.
"""

import jax, jax.numpy as jnp
import numpy as np

N = 10000
E = 320000
D_IN = 128
D_HID = 16
D_OUT = 7


def setup_inputs(seed: int = 0) -> dict:
    key = jax.random.key(seed)
    k1, k2, k3, k4, k5, k6 = jax.random.split(key, 6)
    x = jax.random.normal(k1, (N, D_IN), dtype=jnp.float32)
    edge_index = jax.random.randint(k2, (2, E), 0, N, dtype=jnp.int32)
    W1 = jax.random.normal(k3, (D_IN, D_HID), dtype=jnp.float32) * (1.0 / np.sqrt(D_IN))
    b1 = jnp.zeros((D_HID,), dtype=jnp.float32)
    W2 = jax.random.normal(k4, (D_HID, D_OUT), dtype=jnp.float32) * (1.0 / np.sqrt(D_HID))
    b2 = jnp.zeros((D_OUT,), dtype=jnp.float32)
    return {"x": x, "edge_index": edge_index, "W1": W1, "b1": b1, "W2": W2, "b2": b2}


def _gcn_conv(x, W, b, src, dst, n):
    # GCNConv: D^{-1/2} (A + I) D^{-1/2} X W + b  (self-loops already appended to src/dst)
    h = x @ W
    deg = jnp.zeros((n,), dtype=x.dtype).at[dst].add(1.0)
    dinv = 1.0 / jnp.sqrt(jnp.maximum(deg, 1.0))
    norm = (dinv[src] * dinv[dst])[:, None]
    msg = h[src] * norm
    out = jnp.zeros((n, W.shape[1]), dtype=x.dtype).at[dst].add(msg)
    return out + b


def reference(x, edge_index, W1, b1, W2, b2):
    n = x.shape[0]
    loop = jnp.arange(n, dtype=edge_index.dtype)
    src = jnp.concatenate([edge_index[0], loop])
    dst = jnp.concatenate([edge_index[1], loop])
    h = jax.nn.relu(_gcn_conv(x, W1, b1, src, dst, n))
    # dropout is identity in eval mode (training=False)
    out = _gcn_conv(h, W2, b2, src, dst, n)
    return jax.nn.log_softmax(out, axis=1)

if __name__ == "__main__":
    import jax
    _d = setup_inputs()
    print(jax.jit(kernel)(*tuple(_d.values())))

</pallas_src>

<mosaic_0001>
#map = affine_map<(d0, d1) -> (0, 0)>
#map1 = affine_map<(d0, d1) -> (0, 0, 0)>
module attributes {stable_mosaic.version = 14 : i64} {
  func.func @agg(%arg0: i32, %arg1: i32, %arg2: memref<10112x16xf32, #tpu.memory_space<hbm>>, %arg3: memref<2500x2x128xi32, #tpu.memory_space<hbm>>, %arg4: memref<64x2x128xi32, #tpu.memory_space<hbm>>, %arg5: memref<10112x16xf32, #tpu.memory_space<hbm>>, %arg6: memref<2x10112x16xf32, #tpu.memory_space<hbm>>, %arg7: memref<10112x16xf32, #tpu.memory_space<vmem_shared>>, %arg8: memref<10112x16xf32, #tpu.memory_space<vmem_shared>>, %arg9: memref<84x2x128xi32, #tpu.memory_space<vmem>>, %arg10: memref<128x16xf32, #tpu.memory_space<vmem>>, %arg11: memref<128x16xf32, #tpu.memory_space<vmem>>, %arg12: memref<!tpu.dma_semaphore, #tpu.memory_space<semaphore_mem>>, %arg13: memref<!tpu.dma_semaphore, #tpu.memory_space<semaphore_mem>>) attributes {dimension_semantics = [#tpu.dimension_semantics<core_parallel>, #tpu.dimension_semantics<subcore_parallel>], iteration_bounds = array<i64: 2, 16>, scalar_prefetch = 0 : i64, scratch_operands = 7 : i64, tpu.core_type = #tpu.core_type<sc_vector_subcore>, window_params = [{transform_indices = #map}, {transform_indices = #map1}, {transform_indices = #map1}, {transform_indices = #map}, {transform_indices = #map1}]} {
    %mul3A = arith.constant 16 : i32
    %mul3A_0 = arith.muli %arg0, %mul3A : i32
    %add3A = arith.addi %mul3A_0, %arg1 : i32
    %mul3A_1 = arith.constant 632 : i32
    %mul3A_2 = arith.muli %arg1, %mul3A_1 : i32
    "tpu.region"() ({
      %run_scoped3A = tpu.sem_alloc : memref<!tpu.dma_semaphore, #tpu.memory_space<semaphore_mem>>
      %dma_start3A_28 = arith.constant 0 : i32
      %dma_start3A_29 = tpu.memref_slice %arg7[%mul3A_2, %dma_start3A_28] : memref<10112x16xf32, #tpu.memory_space<vmem_shared>> -> memref<632x16xf32, #tpu.memory_space<vmem_shared>>
      %dma_start3A_30 = arith.constant 0 : i32
      %dma_start3A_31 = tpu.memref_slice %arg5[%mul3A_2, %dma_start3A_30] : memref<10112x16xf32, #tpu.memory_space<hbm>> -> memref<632x16xf32, #tpu.memory_space<hbm>>
      tpu.enqueue_dma source(%dma_start3A_31 : memref<632x16xf32, #tpu.memory_space<hbm>>) target(%dma_start3A_29 : memref<632x16xf32, #tpu.memory_space<vmem_shared>>) target_semaphore(%run_scoped3A : memref<!tpu.dma_semaphore, #tpu.memory_space<semaphore_mem>>)
      %dma_wait3A_32 = arith.constant 0 : i32
      %dma_wait3A_33 = tpu.memref_slice %arg7[%mul3A_2, %dma_wait3A_32] : memref<10112x16xf32, #tpu.memory_space<vmem_shared>> -> memref<632x16xf32, #tpu.memory_space<vmem_shared>>
      %dma_wait3A_34 = arith.constant 0 : i32
      %dma_wait3A_35 = tpu.memref_slice %arg5[%mul3A_2, %dma_wait3A_34] : memref<10112x16xf32, #tpu.memory_space<hbm>> -> memref<632x16xf32, #tpu.memory_space<hbm>>
      tpu.wait_dma2 semaphore(%run_scoped3A : memref<!tpu.dma_semaphore, #tpu.memory_space<semaphore_mem>>) src(%dma_wait3A_35 : memref<632x16xf32, #tpu.memory_space<hbm>>) dst(%dma_wait3A_33 : memref<632x16xf32, #tpu.memory_space<vmem_shared>>)
      tpu.yield
    }) : () -> ()
    "tpu.region"() ({
      %run_scoped3A = tpu.sem_alloc : memref<!tpu.dma_semaphore, #tpu.memory_space<semaphore_mem>>
      %dma_start3A_28 = arith.constant 0 : i32
      %dma_start3A_29 = tpu.memref_slice %arg8[%mul3A_2, %dma_start3A_28] : memref<10112x16xf32, #tpu.memory_space<vmem_shared>> -> memref<632x16xf32, #tpu.memory_space<vmem_shared>>
      %dma_start3A_30 = arith.constant 0 : i32
      %dma_start3A_31 = tpu.memref_slice %arg2[%mul3A_2, %dma_start3A_30] : memref<10112x16xf32, #tpu.memory_space<hbm>> -> memref<632x16xf32, #tpu.memory_space<hbm>>
      tpu.enqueue_dma source(%dma_start3A_31 : memref<632x16xf32, #tpu.memory_space<hbm>>) target(%dma_start3A_29 : memref<632x16xf32, #tpu.memory_space<vmem_shared>>) target_semaphore(%run_scoped3A : memref<!tpu.dma_semaphore, #tpu.memory_space<semaphore_mem>>)
      %dma_wait3A_32 = arith.constant 0 : i32
      %dma_wait3A_33 = tpu.memref_slice %arg8[%mul3A_2, %dma_wait3A_32] : memref<10112x16xf32, #tpu.memory_space<vmem_shared>> -> memref<632x16xf32, #tpu.memory_space<vmem_shared>>
      %dma_wait3A_34 = arith.constant 0 : i32
      %dma_wait3A_35 = tpu.memref_slice %arg2[%mul3A_2, %dma_wait3A_34] : memref<10112x16xf32, #tpu.memory_space<hbm>> -> memref<632x16xf32, #tpu.memory_space<hbm>>
      tpu.wait_dma2 semaphore(%run_scoped3A : memref<!tpu.dma_semaphore, #tpu.memory_space<semaphore_mem>>) src(%dma_wait3A_35 : memref<632x16xf32, #tpu.memory_space<hbm>>) dst(%dma_wait3A_33 : memref<632x16xf32, #tpu.memory_space<vmem_shared>>)
      tpu.yield
    }) : () -> ()
    %lt3A = arith.constant 31 : i32
    %lt3A_3 = arith.cmpi slt, %add3A, %lt3A : i32
    %convert_element_type3A = arith.extui %lt3A_3 : i1 to i32
    %cond3A = arith.constant 0 : i32
    %cond3A_4 = arith.cmpi ne, %convert_element_type3A, %cond3A : i32
    scf.if %cond3A_4 {
      %mul3A_28 = arith.constant 80 : i32
      %mul3A_29 = arith.muli %add3A, %mul3A_28 : i32
      "tpu.region"() ({
        %run_scoped3A = tpu.sem_alloc : memref<!tpu.dma_semaphore, #tpu.memory_space<semaphore_mem>>
        %dma_start3A_30 = arith.constant 0 : i32
        %dma_start3A_31 = arith.constant 0 : i32
        %dma_start3A_32 = arith.constant 0 : i32
        %dma_start3A_33 = tpu.memref_slice %arg9[%dma_start3A_30, %dma_start3A_31, %dma_start3A_32] : memref<84x2x128xi32, #tpu.memory_space<vmem>> -> memref<80x2x128xi32, #tpu.memory_space<vmem>>
        %dma_start3A_34 = arith.constant 0 : i32
        %dma_start3A_35 = arith.constant 0 : i32
        %dma_start3A_36 = tpu.memref_slice %arg3[%mul3A_29, %dma_start3A_34, %dma_start3A_35] : memref<2500x2x128xi32, #tpu.memory_space<hbm>> -> memref<80x2x128xi32, #tpu.memory_space<hbm>>
        %dma_start3A_37 = arith.constant 0 : i32
        %dma_start3A_38 = arith.constant 0 : i32
        %dma_start3A_39 = arith.constant 0 : i32
        %dma_start3A_40 = tpu.memref_slice %arg9[%dma_start3A_37, %dma_start3A_38, %dma_start3A_39] : memref<84x2x128xi32, #tpu.memory_space<vmem>> -> memref<80x2x128xi32, #tpu.memory_space<vmem>>
        %dma_start3A_41 = arith.constant 0 : i32
        %dma_start3A_42 = arith.constant 0 : i32
        %dma_start3A_43 = tpu.memref_slice %arg3[%mul3A_29, %dma_start3A_41, %dma_start3A_42] : memref<2500x2x128xi32, #tpu.memory_space<hbm>> -> memref<80x2x128xi32, #tpu.memory_space<hbm>>
        tpu.enqueue_dma source(%dma_start3A_43 : memref<80x2x128xi32, #tpu.memory_space<hbm>>) target(%dma_start3A_40 : memref<80x2x128xi32, #tpu.memory_space<vmem>>) target_semaphore(%run_scoped3A : memref<!tpu.dma_semaphore, #tpu.memory_space<semaphore_mem>>)
        %dma_wait3A_44 = arith.constant 0 : i32
        %dma_wait3A_45 = arith.constant 0 : i32
        %dma_wait3A_46 = arith.constant 0 : i32
        %dma_wait3A_47 = tpu.memref_slice %arg9[%dma_wait3A_44, %dma_wait3A_45, %dma_wait3A_46] : memref<84x2x128xi32, #tpu.memory_space<vmem>> -> memref<80x2x128xi32, #tpu.memory_space<vmem>>
        %dma_wait3A_48 = arith.constant 0 : i32
        %dma_wait3A_49 = arith.constant 0 : i32
        %dma_wait3A_50 = tpu.memref_slice %arg3[%mul3A_29, %dma_wait3A_48, %dma_wait3A_49] : memref<2500x2x128xi32, #tpu.memory_space<hbm>> -> memref<80x2x128xi32, #tpu.memory_space<hbm>>
        %dma_wait3A_51 = arith.constant 0 : i32
        %dma_wait3A_52 = arith.constant 0 : i32
        %dma_wait3A_53 = arith.constant 0 : i32
        %dma_wait3A_54 = tpu.memref_slice %arg9[%dma_wait3A_51, %dma_wait3A_52, %dma_wait3A_53] : memref<84x2x128xi32, #tpu.memory_space<vmem>> -> memref<80x2x128xi32, #tpu.memory_space<vmem>>
        %dma_wait3A_55 = arith.constant 0 : i32
        %dma_wait3A_56 = arith.constant 0 : i32
        %dma_wait3A_57 = tpu.memref_slice %arg3[%mul3A_29, %dma_wait3A_55, %dma_wait3A_56] : memref<2500x2x128xi32, #tpu.memory_space<hbm>> -> memref<80x2x128xi32, #tpu.memory_space<hbm>>
        tpu.wait_dma2 semaphore(%run_scoped3A : memref<!tpu.dma_semaphore, #tpu.memory_space<semaphore_mem>>) src(%dma_wait3A_57 : memref<80x2x128xi32, #tpu.memory_space<hbm>>) dst(%dma_wait3A_54 : memref<80x2x128xi32, #tpu.memory_space<vmem>>)
        tpu.yield
      }) : () -> ()
      "tpu.region"() ({
        %run_scoped3A = tpu.sem_alloc : memref<!tpu.dma_semaphore, #tpu.memory_space<semaphore_mem>>
        %dma_start3A_30 = arith.constant 80 : i32
        %dma_start3A_31 = arith.constant 0 : i32
        %dma_start3A_32 = arith.constant 0 : i32
        %dma_start3A_33 = tpu.memref_slice %arg9[%dma_start3A_30, %dma_start3A_31, %dma_start3A_32] : memref<84x2x128xi32, #tpu.memory_space<vmem>> -> memref<4x2x128xi32, #tpu.memory_space<vmem>>
        %dma_start3A_34 = arith.constant 0 : i32
        %dma_start3A_35 = arith.constant 0 : i32
        %dma_start3A_36 = arith.constant 0 : i32
        %dma_start3A_37 = tpu.memref_slice %arg4[%dma_start3A_34, %dma_start3A_35, %dma_start3A_36] : memref<64x2x128xi32, #tpu.memory_space<hbm>> -> memref<4x2x128xi32, #tpu.memory_space<hbm>>
        %dma_start3A_38 = arith.constant 80 : i32
        %dma_start3A_39 = arith.constant 0 : i32
        %dma_start3A_40 = arith.constant 0 : i32
        %dma_start3A_41 = tpu.memref_slice %arg9[%dma_start3A_38, %dma_start3A_39, %dma_start3A_40] : memref<84x2x128xi32, #tpu.memory_space<vmem>> -> memref<4x2x128xi32, #tpu.memory_space<vmem>>
        %dma_start3A_42 = arith.constant 0 : i32
        %dma_start3A_43 = arith.constant 0 : i32
        %dma_start3A_44 = arith.constant 0 : i32
        %dma_start3A_45 = tpu.memref_slice %arg4[%dma_start3A_42, %dma_start3A_43, %dma_start3A_44] : memref<64x2x128xi32, #tpu.memory_space<hbm>> -> memref<4x2x128xi32, #tpu.memory_space<hbm>>
        tpu.enqueue_dma source(%dma_start3A_45 : memref<4x2x128xi32, #tpu.memory_space<hbm>>) target(%dma_start3A_41 : memref<4x2x128xi32, #tpu.memory_space<vmem>>) target_semaphore(%run_scoped3A : memref<!tpu.dma_semaphore, #tpu.memory_space<semaphore_mem>>)
        %dma_wait3A_46 = arith.constant 80 : i32
        %dma_wait3A_47 = arith.constant 0 : i32
        %dma_wait3A_48 = arith.constant 0 : i32
        %dma_wait3A_49 = tpu.memref_slice %arg9[%dma_wait3A_46, %dma_wait3A_47, %dma_wait3A_48] : memref<84x2x128xi32, #tpu.memory_space<vmem>> -> memref<4x2x128xi32, #tpu.memory_space<vmem>>
        %dma_wait3A_50 = arith.constant 0 : i32
        %dma_wait3A_51 = arith.constant 0 : i32
        %dma_wait3A_52 = arith.constant 0 : i32
        %dma_wait3A_53 = tpu.memref_slice %arg4[%dma_wait3A_50, %dma_wait3A_51, %dma_wait3A_52] : memref<64x2x128xi32, #tpu.memory_space<hbm>> -> memref<4x2x128xi32, #tpu.memory_space<hbm>>
        %dma_wait3A_54 = arith.constant 80 : i32
        %dma_wait3A_55 = arith.constant 0 : i32
        %dma_wait3A_56 = arith.constant 0 : i32
        %dma_wait3A_57 = tpu.memref_slice %arg9[%dma_wait3A_54, %dma_wait3A_55, %dma_wait3A_56] : memref<84x2x128xi32, #tpu.memory_space<vmem>> -> memref<4x2x128xi32, #tpu.memory_space<vmem>>
        %dma_wait3A_58 = arith.constant 0 : i32
        %dma_wait3A_59 = arith.constant 0 : i32
        %dma_wait3A_60 = arith.constant 0 : i32
        %dma_wait3A_61 = tpu.memref_slice %arg4[%dma_wait3A_58, %dma_wait3A_59, %dma_wait3A_60] : memref<64x2x128xi32, #tpu.memory_space<hbm>> -> memref<4x2x128xi32, #tpu.memory_space<hbm>>
        tpu.wait_dma2 semaphore(%run_scoped3A : memref<!tpu.dma_semaphore, #tpu.memory_space<semaphore_mem>>) src(%dma_wait3A_61 : memref<4x2x128xi32, #tpu.memory_space<hbm>>) dst(%dma_wait3A_57 : memref<4x2x128xi32, #tpu.memory_space<vmem>>)
        tpu.yield
      }) : () -> ()
    } else {
    }
    %eq3A = arith.constant 31 : i32
    %eq3A_5 = arith.cmpi eq, %add3A, %eq3A : i32
    %convert_element_type3A_6 = arith.extui %eq3A_5 : i1 to i32
    %cond3A_7 = arith.constant 0 : i32
    %cond3A_8 = arith.cmpi ne, %convert_element_type3A_6, %cond3A_7 : i32
    scf.if %cond3A_8 {
      "tpu.region"() ({
        %run_scoped3A = tpu.sem_alloc : memref<!tpu.dma_semaphore, #tpu.memory_space<semaphore_mem>>
        %dma_start3A_28 = arith.constant 0 : i32
        %dma_start3A_29 = arith.constant 0 : i32
        %dma_start3A_30 = arith.constant 0 : i32
        %dma_start3A_31 = tpu.memref_slice %arg9[%dma_start3A_28, %dma_start3A_29, %dma_start3A_30] : memref<84x2x128xi32, #tpu.memory_space<vmem>> -> memref<20x2x128xi32, #tpu.memory_space<vmem>>
        %dma_start3A_32 = arith.constant 2480 : i32
        %dma_start3A_33 = arith.constant 0 : i32
        %dma_start3A_34 = arith.constant 0 : i32
        %dma_start3A_35 = tpu.memref_slice %arg3[%dma_start3A_32, %dma_start3A_33, %dma_start3A_34] : memref<2500x2x128xi32, #tpu.memory_space<hbm>> -> memref<20x2x128xi32, #tpu.memory_space<hbm>>
        %dma_start3A_36 = arith.constant 0 : i32
        %dma_start3A_37 = arith.constant 0 : i32
        %dma_start3A_38 = arith.constant 0 : i32
        %dma_start3A_39 = tpu.memref_slice %arg9[%dma_start3A_36, %dma_start3A_37, %dma_start3A_38] : memref<84x2x128xi32, #tpu.memory_space<vmem>> -> memref<20x2x128xi32, #tpu.memory_space<vmem>>
        %dma_start3A_40 = arith.constant 2480 : i32
        %dma_start3A_41 = arith.constant 0 : i32
        %dma_start3A_42 = arith.constant 0 : i32
        %dma_start3A_43 = tpu.memref_slice %arg3[%dma_start3A_40, %dma_start3A_41, %dma_start3A_42] : memref<2500x2x128xi32, #tpu.memory_space<hbm>> -> memref<20x2x128xi32, #tpu.memory_space<hbm>>
        tpu.enqueue_dma source(%dma_start3A_43 : memref<20x2x128xi32, #tpu.memory_space<hbm>>) target(%dma_start3A_39 : memref<20x2x128xi32, #tpu.memory_space<vmem>>) target_semaphore(%run_scoped3A : memref<!tpu.dma_semaphore, #tpu.memory_space<semaphore_mem>>)
        %dma_wait3A_44 = arith.constant 0 : i32
        %dma_wait3A_45 = arith.constant 0 : i32
        %dma_wait3A_46 = arith.constant 0 : i32
        %dma_wait3A_47 = tpu.memref_slice %arg9[%dma_wait3A_44, %dma_wait3A_45, %dma_wait3A_46] : memref<84x2x128xi32, #tpu.memory_space<vmem>> -> memref<20x2x128xi32, #tpu.memory_space<vmem>>
        %dma_wait3A_48 = arith.constant 2480 : i32
        %dma_wait3A_49 = arith.constant 0 : i32
        %dma_wait3A_50 = arith.constant 0 : i32
        %dma_wait3A_51 = tpu.memref_slice %arg3[%dma_wait3A_48, %dma_wait3A_49, %dma_wait3A_50] : memref<2500x2x128xi32, #tpu.memory_space<hbm>> -> memref<20x2x128xi32, #tpu.memory_space<hbm>>
        %dma_wait3A_52 = arith.constant 0 : i32
        %dma_wait3A_53 = arith.constant 0 : i32
        %dma_wait3A_54 = arith.constant 0 : i32
        %dma_wait3A_55 = tpu.memref_slice %arg9[%dma_wait3A_52, %dma_wait3A_53, %dma_wait3A_54] : memref<84x2x128xi32, #tpu.memory_space<vmem>> -> memref<20x2x128xi32, #tpu.memory_space<vmem>>
        %dma_wait3A_56 = arith.constant 2480 : i32
        %dma_wait3A_57 = arith.constant 0 : i32
        %dma_wait3A_58 = arith.constant 0 : i32
        %dma_wait3A_59 = tpu.memref_slice %arg3[%dma_wait3A_56, %dma_wait3A_57, %dma_wait3A_58] : memref<2500x2x128xi32, #tpu.memory_space<hbm>> -> memref<20x2x128xi32, #tpu.memory_space<hbm>>
        tpu.wait_dma2 semaphore(%run_scoped3A : memref<!tpu.dma_semaphore, #tpu.memory_space<semaphore_mem>>) src(%dma_wait3A_59 : memref<20x2x128xi32, #tpu.memory_space<hbm>>) dst(%dma_wait3A_55 : memref<20x2x128xi32, #tpu.memory_space<vmem>>)
        tpu.yield
      }) : () -> ()
      "tpu.region"() ({
        %run_scoped3A = tpu.sem_alloc : memref<!tpu.dma_semaphore, #tpu.memory_space<semaphore_mem>>
        %dma_start3A_28 = arith.constant 20 : i32
        %dma_start3A_29 = arith.constant 0 : i32
        %dma_start3A_30 = arith.constant 0 : i32
        %dma_start3A_31 = tpu.memref_slice %arg9[%dma_start3A_28, %dma_start3A_29, %dma_start3A_30] : memref<84x2x128xi32, #tpu.memory_space<vmem>> -> memref<64x2x128xi32, #tpu.memory_space<vmem>>
        %dma_start3A_32 = arith.constant 20 : i32
        %dma_start3A_33 = arith.constant 0 : i32
        %dma_start3A_34 = arith.constant 0 : i32
        %dma_start3A_35 = tpu.memref_slice %arg9[%dma_start3A_32, %dma_start3A_33, %dma_start3A_34] : memref<84x2x128xi32, #tpu.memory_space<vmem>> -> memref<64x2x128xi32, #tpu.memory_space<vmem>>
        tpu.enqueue_dma source(%arg4 : memref<64x2x128xi32, #tpu.memory_space<hbm>>) target(%dma_start3A_35 : memref<64x2x128xi32, #tpu.memory_space<vmem>>) target_semaphore(%run_scoped3A : memref<!tpu.dma_semaphore, #tpu.memory_space<semaphore_mem>>)
        %dma_wait3A_36 = arith.constant 20 : i32
        %dma_wait3A_37 = arith.constant 0 : i32
        %dma_wait3A_38 = arith.constant 0 : i32
        %dma_wait3A_39 = tpu.memref_slice %arg9[%dma_wait3A_36, %dma_wait3A_37, %dma_wait3A_38] : memref<84x2x128xi32, #tpu.memory_space<vmem>> -> memref<64x2x128xi32, #tpu.memory_space<vmem>>
        %dma_wait3A_40 = arith.constant 20 : i32
        %dma_wait3A_41 = arith.constant 0 : i32
        %dma_wait3A_42 = arith.constant 0 : i32
        %dma_wait3A_43 = tpu.memref_slice %arg9[%dma_wait3A_40, %dma_wait3A_41, %dma_wait3A_42] : memref<84x2x128xi32, #tpu.memory_space<vmem>> -> memref<64x2x128xi32, #tpu.memory_space<vmem>>
        tpu.wait_dma2 semaphore(%run_scoped3A : memref<!tpu.dma_semaphore, #tpu.memory_space<semaphore_mem>>) src(%arg4 : memref<64x2x128xi32, #tpu.memory_space<hbm>>) dst(%dma_wait3A_43 : memref<64x2x128xi32, #tpu.memory_space<vmem>>)
        tpu.yield
      }) : () -> ()
    } else {
    }
    %barrier3A = arith.constant 0 : index
    tpu.barrier barrier_id(%barrier3A)
    %dma_start3A = arith.constant 0 : i32
    %dma_start3A_9 = arith.constant 0 : i32
    %dma_start3A_10 = arith.constant 0 : i32
    %dma_start3A_11 = tpu.memref_slice %arg9[%dma_start3A, %dma_start3A_9, %dma_start3A_10] : memref<84x2x128xi32, #tpu.memory_space<vmem>> -> memref<1x1x128xi32, #tpu.memory_space<vmem>>
    %dma_start3A_12 = tpu.memref_squeeze %dma_start3A_11 : memref<1x1x128xi32, #tpu.memory_space<vmem>> -> memref<128xi32, #tpu.memory_space<vmem>>
    %dma_start3A_13 = arith.constant 0 : i32
    %dma_start3A_14 = arith.constant 0 : i32
    %dma_start3A_15 = tpu.memref_slice %arg8[%dma_start3A_13, %dma_start3A_14] : memref<10112x16xf32, #tpu.memory_space<vmem_shared>> -> memref<10112x16xf32, #tpu.memory_space<vmem_shared>>
    tpu.enqueue_indirect_dma source(%dma_start3A_15 : memref<10112x16xf32, #tpu.memory_space<vmem_shared>>) target(%arg10 : memref<128x16xf32, #tpu.memory_space<vmem>>) offsets(%dma_start3A_12 : memref<128xi32, #tpu.memory_space<vmem>>) semaphore(%arg12 : memref<!tpu.dma_semaphore, #tpu.memory_space<semaphore_mem>>)
    %scan3A = arith.constant 0 : i32
    %scan3A_16 = arith.constant 40 : i32
    %scan3A_17 = arith.addi %scan3A, %scan3A_16 : i32
    %scan3A_18 = arith.constant 1 : i32
    scf.for %scan3A_28 = %scan3A to %scan3A_17 step %scan3A_18  : i32 {
      %mul3A_29 = arith.constant 2 : i32
      %mul3A_30 = arith.muli %scan3A_28, %mul3A_29 : i32
      %add3A_31 = arith.constant 0 : i32
      %add3A_32 = arith.addi %add3A_31, %mul3A_30 : i32
      %add3A_33 = arith.constant 1 : i32
      %add3A_34 = arith.addi %add3A_32, %add3A_33 : i32
      %dma_start3A_35 = arith.constant 0 : i32
      %dma_start3A_36 = arith.constant 0 : i32
      %dma_start3A_37 = tpu.memref_slice %arg9[%add3A_34, %dma_start3A_35, %dma_start3A_36] : memref<84x2x128xi32, #tpu.memory_space<vmem>> -> memref<1x1x128xi32, #tpu.memory_space<vmem>>
      %dma_start3A_38 = tpu.memref_squeeze %dma_start3A_37 : memref<1x1x128xi32, #tpu.memory_space<vmem>> -> memref<128xi32, #tpu.memory_space<vmem>>
      %dma_start3A_39 = arith.constant 0 : i32
      %dma_start3A_40 = arith.constant 0 : i32
      %dma_start3A_41 = tpu.memref_slice %arg8[%dma_start3A_39, %dma_start3A_40] : memref<10112x16xf32, #tpu.memory_space<vmem_shared>> -> memref<10112x16xf32, #tpu.memory_space<vmem_shared>>
      tpu.enqueue_indirect_dma source(%dma_start3A_41 : memref<10112x16xf32, #tpu.memory_space<vmem_shared>>) target(%arg11 : memref<128x16xf32, #tpu.memory_space<vmem>>) offsets(%dma_start3A_38 : memref<128xi32, #tpu.memory_space<vmem>>) semaphore(%arg13 : memref<!tpu.dma_semaphore, #tpu.memory_space<semaphore_mem>>)
      %dma_wait3A_42 = arith.constant 0 : i32
      %dma_wait3A_43 = arith.constant 0 : i32
      %dma_wait3A_44 = tpu.memref_slice %arg9[%add3A_32, %dma_wait3A_42, %dma_wait3A_43] : memref<84x2x128xi32, #tpu.memory_space<vmem>> -> memref<1x1x128xi32, #tpu.memory_space<vmem>>
      %dma_wait3A_45 = tpu.memref_squeeze %dma_wait3A_44 : memref<1x1x128xi32, #tpu.memory_space<vmem>> -> memref<128xi32, #tpu.memory_space<vmem>>
      %dma_wait3A_46 = arith.constant 0 : i32
      %dma_wait3A_47 = arith.constant 0 : i32
      %dma_wait3A_48 = tpu.memref_slice %arg8[%dma_wait3A_46, %dma_wait3A_47] : memref<10112x16xf32, #tpu.memory_space<vmem_shared>> -> memref<10112x16xf32, #tpu.memory_space<vmem_shared>>
      tpu.wait_indirect_dma semaphore(%arg12 : memref<!tpu.dma_semaphore, #tpu.memory_space<semaphore_mem>>) src(%dma_wait3A_48 : memref<10112x16xf32, #tpu.memory_space<vmem_shared>>) dst(%arg10 : memref<128x16xf32, #tpu.memory_space<vmem>>)
      %run_scoped3A = arith.constant 1 : i32
      "tpu.region"() ({
        %run_scoped3A_70 = tpu.sem_alloc : memref<!tpu.dma_semaphore, #tpu.memory_space<semaphore_mem>>
        %dma_start3A_71 = arith.constant 0 : i32
        %dma_start3A_72 = tpu.memref_slice %arg9[%add3A_32, %run_scoped3A, %dma_start3A_71] : memref<84x2x128xi32, #tpu.memory_space<vmem>> -> memref<1x1x128xi32, #tpu.memory_space<vmem>>
        %dma_start3A_73 = tpu.memref_squeeze %dma_start3A_72 : memref<1x1x128xi32, #tpu.memory_space<vmem>> -> memref<128xi32, #tpu.memory_space<vmem>>
        %dma_start3A_74 = arith.constant 0 : i32
        %dma_start3A_75 = arith.constant 0 : i32
        %dma_start3A_76 = tpu.memref_slice %arg7[%dma_start3A_74, %dma_start3A_75] : memref<10112x16xf32, #tpu.memory_space<vmem_shared>> -> memref<10112x16xf32, #tpu.memory_space<vmem_shared>>
        tpu.enqueue_indirect_dma source(%arg10 : memref<128x16xf32, #tpu.memory_space<vmem>>) target(%dma_start3A_76 : memref<10112x16xf32, #tpu.memory_space<vmem_shared>>) offsets(%dma_start3A_73 : memref<128xi32, #tpu.memory_space<vmem>>) semaphore(%run_scoped3A_70 : memref<!tpu.dma_semaphore, #tpu.memory_space<semaphore_mem>>) {add = true}
        %dma_wait3A_77 = arith.constant 0 : i32
        %dma_wait3A_78 = tpu.memref_slice %arg9[%add3A_32, %run_scoped3A, %dma_wait3A_77] : memref<84x2x128xi32, #tpu.memory_space<vmem>> -> memref<1x1x128xi32, #tpu.memory_space<vmem>>
        %dma_wait3A_79 = tpu.memref_squeeze %dma_wait3A_78 : memref<1x1x128xi32, #tpu.memory_space<vmem>> -> memref<128xi32, #tpu.memory_space<vmem>>
        %dma_wait3A_80 = arith.constant 0 : i32
        %dma_wait3A_81 = arith.constant 0 : i32
        %dma_wait3A_82 = tpu.memref_slice %arg7[%dma_wait3A_80, %dma_wait3A_81] : memref<10112x16xf32, #tpu.memory_space<vmem_shared>> -> memref<10112x16xf32, #tpu.memory_space<vmem_shared>>
        tpu.wait_indirect_dma semaphore(%run_scoped3A_70 : memref<!tpu.dma_semaphore, #tpu.memory_space<semaphore_mem>>) src(%arg10 : memref<128x16xf32, #tpu.memory_space<vmem>>) dst(%dma_wait3A_82 : memref<10112x16xf32, #tpu.memory_space<vmem_shared>>)
        tpu.yield
      }) : () -> ()
      %add3A_49 = arith.constant 2 : i32
      %add3A_50 = arith.addi %add3A_32, %add3A_49 : i32
      %dma_start3A_51 = arith.constant 0 : i32
      %dma_start3A_52 = arith.constant 0 : i32
      %dma_start3A_53 = tpu.memref_slice %arg9[%add3A_50, %dma_start3A_51, %dma_start3A_52] : memref<84x2x128xi32, #tpu.memory_space<vmem>> -> memref<1x1x128xi32, #tpu.memory_space<vmem>>
      %dma_start3A_54 = tpu.memref_squeeze %dma_start3A_53 : memref<1x1x128xi32, #tpu.memory_space<vmem>> -> memref<128xi32, #tpu.memory_space<vmem>>
      %dma_start3A_55 = arith.constant 0 : i32
      %dma_start3A_56 = arith.constant 0 : i32
      %dma_start3A_57 = tpu.memref_slice %arg8[%dma_start3A_55, %dma_start3A_56] : memref<10112x16xf32, #tpu.memory_space<vmem_shared>> -> memref<10112x16xf32, #tpu.memory_space<vmem_shared>>
      tpu.enqueue_indirect_dma source(%dma_start3A_57 : memref<10112x16xf32, #tpu.memory_space<vmem_shared>>) target(%arg10 : memref<128x16xf32, #tpu.memory_space<vmem>>) offsets(%dma_start3A_54 : memref<128xi32, #tpu.memory_space<vmem>>) semaphore(%arg12 : memref<!tpu.dma_semaphore, #tpu.memory_space<semaphore_mem>>)
      %add3A_58 = arith.constant 1 : i32
      %add3A_59 = arith.addi %add3A_32, %add3A_58 : i32
      %dma_wait3A_60 = arith.constant 0 : i32
      %dma_wait3A_61 = arith.constant 0 : i32
      %dma_wait3A_62 = tpu.memref_slice %arg9[%add3A_59, %dma_wait3A_60, %dma_wait3A_61] : memref<84x2x128xi32, #tpu.memory_space<vmem>> -> memref<1x1x128xi32, #tpu.memory_space<vmem>>
      %dma_wait3A_63 = tpu.memref_squeeze %dma_wait3A_62 : memref<1x1x128xi32, #tpu.memory_space<vmem>> -> memref<128xi32, #tpu.memory_space<vmem>>
      %dma_wait3A_64 = arith.constant 0 : i32
      %dma_wait3A_65 = arith.constant 0 : i32
      %dma_wait3A_66 = tpu.memref_slice %arg8[%dma_wait3A_64, %dma_wait3A_65] : memref<10112x16xf32, #tpu.memory_space<vmem_shared>> -> memref<10112x16xf32, #tpu.memory_space<vmem_shared>>
      tpu.wait_indirect_dma semaphore(%arg13 : memref<!tpu.dma_semaphore, #tpu.memory_space<semaphore_mem>>) src(%dma_wait3A_66 : memref<10112x16xf32, #tpu.memory_space<vmem_shared>>) dst(%arg11 : memref<128x16xf32, #tpu.memory_space<vmem>>)
      %add3A_67 = arith.constant 1 : i32
      %add3A_68 = arith.addi %add3A_32, %add3A_67 : i32
      %run_scoped3A_69 = arith.constant 1 : i32
      "tpu.region"() ({
        %run_scoped3A_70 = tpu.sem_alloc : memref<!tpu.dma_semaphore, #tpu.memory_space<semaphore_mem>>
        %dma_start3A_71 = arith.constant 0 : i32
        %dma_start3A_72 = tpu.memref_slice %arg9[%add3A_68, %run_scoped3A_69, %dma_start3A_71] : memref<84x2x128xi32, #tpu.memory_space<vmem>> -> memref<1x1x128xi32, #tpu.memory_space<vmem>>
        %dma_start3A_73 = tpu.memref_squeeze %dma_start3A_72 : memref<1x1x128xi32, #tpu.memory_space<vmem>> -> memref<128xi32, #tpu.memory_space<vmem>>
        %dma_start3A_74 = arith.constant 0 : i32
        %dma_start3A_75 = arith.constant 0 : i32
        %dma_start3A_76 = tpu.memref_slice %arg7[%dma_start3A_74, %dma_start3A_75] : memref<10112x16xf32, #tpu.memory_space<vmem_shared>> -> memref<10112x16xf32, #tpu.memory_space<vmem_shared>>
        tpu.enqueue_indirect_dma source(%arg11 : memref<128x16xf32, #tpu.memory_space<vmem>>) target(%dma_start3A_76 : memref<10112x16xf32, #tpu.memory_space<vmem_shared>>) offsets(%dma_start3A_73 : memref<128xi32, #tpu.memory_space<vmem>>) semaphore(%run_scoped3A_70 : memref<!tpu.dma_semaphore, #tpu.memory_space<semaphore_mem>>) {add = true}
        %dma_wait3A_77 = arith.constant 0 : i32
        %dma_wait3A_78 = tpu.memref_slice %arg9[%add3A_68, %run_scoped3A_69, %dma_wait3A_77] : memref<84x2x128xi32, #tpu.memory_space<vmem>> -> memref<1x1x128xi32, #tpu.memory_space<vmem>>
        %dma_wait3A_79 = tpu.memref_squeeze %dma_wait3A_78 : memref<1x1x128xi32, #tpu.memory_space<vmem>> -> memref<128xi32, #tpu.memory_space<vmem>>
        %dma_wait3A_80 = arith.constant 0 : i32
        %dma_wait3A_81 = arith.constant 0 : i32
        %dma_wait3A_82 = tpu.memref_slice %arg7[%dma_wait3A_80, %dma_wait3A_81] : memref<10112x16xf32, #tpu.memory_space<vmem_shared>> -> memref<10112x16xf32, #tpu.memory_space<vmem_shared>>
        tpu.wait_indirect_dma semaphore(%run_scoped3A_70 : memref<!tpu.dma_semaphore, #tpu.memory_space<semaphore_mem>>) src(%arg11 : memref<128x16xf32, #tpu.memory_space<vmem>>) dst(%dma_wait3A_82 : memref<10112x16xf32, #tpu.memory_space<vmem_shared>>)
        tpu.yield
      }) : () -> ()
    }
    %scan3A_19 = arith.constant 40 : i32
    %dma_wait3A = arith.constant 0 : i32
    %dma_wait3A_20 = arith.constant 0 : i32
    %dma_wait3A_21 = arith.constant 0 : i32
    %dma_wait3A_22 = tpu.memref_slice %arg9[%dma_wait3A, %dma_wait3A_20, %dma_wait3A_21] : memref<84x2x128xi32, #tpu.memory_space<vmem>> -> memref<1x1x128xi32, #tpu.memory_space<vmem>>
    %dma_wait3A_23 = tpu.memref_squeeze %dma_wait3A_22 : memref<1x1x128xi32, #tpu.memory_space<vmem>> -> memref<128xi32, #tpu.memory_space<vmem>>
    %dma_wait3A_24 = arith.constant 0 : i32
    %dma_wait3A_25 = arith.constant 0 : i32
    %dma_wait3A_26 = tpu.memref_slice %arg8[%dma_wait3A_24, %dma_wait3A_25] : memref<10112x16xf32, #tpu.memory_space<vmem_shared>> -> memref<10112x16xf32, #tpu.memory_space<vmem_shared>>
    tpu.wait_indirect_dma semaphore(%arg12 : memref<!tpu.dma_semaphore, #tpu.memory_space<semaphore_mem>>) src(%dma_wait3A_26 : memref<10112x16xf32, #tpu.memory_space<vmem_shared>>) dst(%arg10 : memref<128x16xf32, #tpu.memory_space<vmem>>)
    %barrier3A_27 = arith.constant 0 : index
    tpu.barrier barrier_id(%barrier3A_27)
    "tpu.region"() ({
      %run_scoped3A = tpu.sem_alloc : memref<!tpu.dma_semaphore, #tpu.memory_space<semaphore_mem>>
      %dma_start3A_28 = arith.constant 0 : i32
      %dma_start3A_29 = tpu.memref_slice %arg6[%arg0, %mul3A_2, %dma_start3A_28] : memref<2x10112x16xf32, #tpu.memory_space<hbm>> -> memref<1x632x16xf32, #tpu.memory_space<hbm>>
      %dma_start3A_30 = tpu.memref_squeeze %dma_start3A_29 : memref<1x632x16xf32, #tpu.memory_space<hbm>> -> memref<632x16xf32, #tpu.memory_space<hbm>>
      %dma_start3A_31 = arith.constant 0 : i32
      %dma_start3A_32 = tpu.memref_slice %arg7[%mul3A_2, %dma_start3A_31] : memref<10112x16xf32, #tpu.memory_space<vmem_shared>> -> memref<632x16xf32, #tpu.memory_space<vmem_shared>>
      tpu.enqueue_dma source(%dma_start3A_32 : memref<632x16xf32, #tpu.memory_space<vmem_shared>>) target(%dma_start3A_30 : memref<632x16xf32, #tpu.memory_space<hbm>>) target_semaphore(%run_scoped3A : memref<!tpu.dma_semaphore, #tpu.memory_space<semaphore_mem>>)
      %dma_wait3A_33 = arith.constant 0 : i32
      %dma_wait3A_34 = tpu.memref_slice %arg6[%arg0, %mul3A_2, %dma_wait3A_33] : memref<2x10112x16xf32, #tpu.memory_space<hbm>> -> memref<1x632x16xf32, #tpu.memory_space<hbm>>
      %dma_wait3A_35 = tpu.memref_squeeze %dma_wait3A_34 : memref<1x632x16xf32, #tpu.memory_space<hbm>> -> memref<632x16xf32, #tpu.memory_space<hbm>>
      %dma_wait3A_36 = arith.constant 0 : i32
      %dma_wait3A_37 = tpu.memref_slice %arg7[%mul3A_2, %dma_wait3A_36] : memref<10112x16xf32, #tpu.memory_space<vmem_shared>> -> memref<632x16xf32, #tpu.memory_space<vmem_shared>>
      tpu.wait_dma2 semaphore(%run_scoped3A : memref<!tpu.dma_semaphore, #tpu.memory_space<semaphore_mem>>) src(%dma_wait3A_37 : memref<632x16xf32, #tpu.memory_space<vmem_shared>>) dst(%dma_wait3A_35 : memref<632x16xf32, #tpu.memory_space<hbm>>)
      tpu.yield
    }) : () -> ()
    return
  }
}

#map = affine_map<(d0, d1) -> (0, 0, 0)>
#map1 = affine_map<(d0, d1) -> (0, 0)>
module attributes {stable_mosaic.version = 14 : i64} {
  func.func @deg(%arg0: i32, %arg1: i32, %arg2: memref<2500x2x128xi32, #tpu.memory_space<hbm>>, %arg3: memref<64x2x128xi32, #tpu.memory_space<hbm>>, %arg4: memref<128x8xf32, #tpu.memory_space<hbm>>, %arg5: memref<10112x8xf32, #tpu.memory_space<hbm>>, %arg6: memref<2x10112x8xf32, #tpu.memory_space<hbm>>, %arg7: memref<10112x8xf32, #tpu.memory_space<vmem_shared>>, %arg8: memref<84x2x128xi32, #tpu.memory_space<vmem>>, %arg9: memref<128x8xf32, #tpu.memory_space<vmem>>) attributes {dimension_semantics = [#tpu.dimension_semantics<core_parallel>, #tpu.dimension_semantics<subcore_parallel>], iteration_bounds = array<i64: 2, 16>, scalar_prefetch = 0 : i64, scratch_operands = 3 : i64, tpu.core_type = #tpu.core_type<sc_vector_subcore>, window_params = [{transform_indices = #map}, {transform_indices = #map}, {transform_indices = #map1}, {transform_indices = #map1}, {transform_indices = #map}]} {
    %mul3A = arith.constant 16 : i32
    %mul3A_0 = arith.muli %arg0, %mul3A : i32
    %add3A = arith.addi %mul3A_0, %arg1 : i32
    %mul3A_1 = arith.constant 632 : i32
    %mul3A_2 = arith.muli %arg1, %mul3A_1 : i32
    "tpu.region"() ({
      %run_scoped3A = tpu.sem_alloc : memref<!tpu.dma_semaphore, #tpu.memory_space<semaphore_mem>>
      %dma_start3A = arith.constant 0 : i32
      %dma_start3A_14 = tpu.memref_slice %arg7[%mul3A_2, %dma_start3A] : memref<10112x8xf32, #tpu.memory_space<vmem_shared>> -> memref<632x8xf32, #tpu.memory_space<vmem_shared>>
      %dma_start3A_15 = arith.constant 0 : i32
      %dma_start3A_16 = tpu.memref_slice %arg5[%mul3A_2, %dma_start3A_15] : memref<10112x8xf32, #tpu.memory_space<hbm>> -> memref<632x8xf32, #tpu.memory_space<hbm>>
      tpu.enqueue_dma source(%dma_start3A_16 : memref<632x8xf32, #tpu.memory_space<hbm>>) target(%dma_start3A_14 : memref<632x8xf32, #tpu.memory_space<vmem_shared>>) target_semaphore(%run_scoped3A : memref<!tpu.dma_semaphore, #tpu.memory_space<semaphore_mem>>)
      %dma_wait3A = arith.constant 0 : i32
      %dma_wait3A_17 = tpu.memref_slice %arg7[%mul3A_2, %dma_wait3A] : memref<10112x8xf32, #tpu.memory_space<vmem_shared>> -> memref<632x8xf32, #tpu.memory_space<vmem_shared>>
      %dma_wait3A_18 = arith.constant 0 : i32
      %dma_wait3A_19 = tpu.memref_slice %arg5[%mul3A_2, %dma_wait3A_18] : memref<10112x8xf32, #tpu.memory_space<hbm>> -> memref<632x8xf32, #tpu.memory_space<hbm>>
      tpu.wait_dma2 semaphore(%run_scoped3A : memref<!tpu.dma_semaphore, #tpu.memory_space<semaphore_mem>>) src(%dma_wait3A_19 : memref<632x8xf32, #tpu.memory_space<hbm>>) dst(%dma_wait3A_17 : memref<632x8xf32, #tpu.memory_space<vmem_shared>>)
      tpu.yield
    }) : () -> ()
    "tpu.region"() ({
      %run_scoped3A = tpu.sem_alloc : memref<!tpu.dma_semaphore, #tpu.memory_space<semaphore_mem>>
      tpu.enqueue_dma source(%arg4 : memref<128x8xf32, #tpu.memory_space<hbm>>) target(%arg9 : memref<128x8xf32, #tpu.memory_space<vmem>>) target_semaphore(%run_scoped3A : memref<!tpu.dma_semaphore, #tpu.memory_space<semaphore_mem>>)
      tpu.wait_dma2 semaphore(%run_scoped3A : memref<!tpu.dma_semaphore, #tpu.memory_space<semaphore_mem>>) src(%arg4 : memref<128x8xf32, #tpu.memory_space<hbm>>) dst(%arg9 : memref<128x8xf32, #tpu.memory_space<vmem>>)
      tpu.yield
    }) : () -> ()
    %lt3A = arith.constant 31 : i32
    %lt3A_3 = arith.cmpi slt, %add3A, %lt3A : i32
    %convert_element_type3A = arith.extui %lt3A_3 : i1 to i32
    %cond3A = arith.constant 0 : i32
    %cond3A_4 = arith.cmpi ne, %convert_element_type3A, %cond3A : i32
    scf.if %cond3A_4 {
      %mul3A_14 = arith.constant 80 : i32
      %mul3A_15 = arith.muli %add3A, %mul3A_14 : i32
      "tpu.region"() ({
        %run_scoped3A = tpu.sem_alloc : memref<!tpu.dma_semaphore, #tpu.memory_space<semaphore_mem>>
        %dma_start3A = arith.constant 0 : i32
        %dma_start3A_16 = arith.constant 0 : i32
        %dma_start3A_17 = arith.constant 0 : i32
        %dma_start3A_18 = tpu.memref_slice %arg8[%dma_start3A, %dma_start3A_16, %dma_start3A_17] : memref<84x2x128xi32, #tpu.memory_space<vmem>> -> memref<80x2x128xi32, #tpu.memory_space<vmem>>
        %dma_start3A_19 = arith.constant 0 : i32
        %dma_start3A_20 = arith.constant 0 : i32
        %dma_start3A_21 = tpu.memref_slice %arg2[%mul3A_15, %dma_start3A_19, %dma_start3A_20] : memref<2500x2x128xi32, #tpu.memory_space<hbm>> -> memref<80x2x128xi32, #tpu.memory_space<hbm>>
        %dma_start3A_22 = arith.constant 0 : i32
        %dma_start3A_23 = arith.constant 0 : i32
        %dma_start3A_24 = arith.constant 0 : i32
        %dma_start3A_25 = tpu.memref_slice %arg8[%dma_start3A_22, %dma_start3A_23, %dma_start3A_24] : memref<84x2x128xi32, #tpu.memory_space<vmem>> -> memref<80x2x128xi32, #tpu.memory_space<vmem>>
        %dma_start3A_26 = arith.constant 0 : i32
        %dma_start3A_27 = arith.constant 0 : i32
        %dma_start3A_28 = tpu.memref_slice %arg2[%mul3A_15, %dma_start3A_26, %dma_start3A_27] : memref<2500x2x128xi32, #tpu.memory_space<hbm>> -> memref<80x2x128xi32, #tpu.memory_space<hbm>>
        tpu.enqueue_dma source(%dma_start3A_28 : memref<80x2x128xi32, #tpu.memory_space<hbm>>) target(%dma_start3A_25 : memref<80x2x128xi32, #tpu.memory_space<vmem>>) target_semaphore(%run_scoped3A : memref<!tpu.dma_semaphore, #tpu.memory_space<semaphore_mem>>)
        %dma_wait3A = arith.constant 0 : i32
        %dma_wait3A_29 = arith.constant 0 : i32
        %dma_wait3A_30 = arith.constant 0 : i32
        %dma_wait3A_31 = tpu.memref_slice %arg8[%dma_wait3A, %dma_wait3A_29, %dma_wait3A_30] : memref<84x2x128xi32, #tpu.memory_space<vmem>> -> memref<80x2x128xi32, #tpu.memory_space<vmem>>
        %dma_wait3A_32 = arith.constant 0 : i32
        %dma_wait3A_33 = arith.constant 0 : i32
        %dma_wait3A_34 = tpu.memref_slice %arg2[%mul3A_15, %dma_wait3A_32, %dma_wait3A_33] : memref<2500x2x128xi32, #tpu.memory_space<hbm>> -> memref<80x2x128xi32, #tpu.memory_space<hbm>>
        %dma_wait3A_35 = arith.constant 0 : i32
        %dma_wait3A_36 = arith.constant 0 : i32
        %dma_wait3A_37 = arith.constant 0 : i32
        %dma_wait3A_38 = tpu.memref_slice %arg8[%dma_wait3A_35, %dma_wait3A_36, %dma_wait3A_37] : memref<84x2x128xi32, #tpu.memory_space<vmem>> -> memref<80x2x128xi32, #tpu.memory_space<vmem>>
        %dma_wait3A_39 = arith.constant 0 : i32
        %dma_wait3A_40 = arith.constant 0 : i32
        %dma_wait3A_41 = tpu.memref_slice %arg2[%mul3A_15, %dma_wait3A_39, %dma_wait3A_40] : memref<2500x2x128xi32, #tpu.memory_space<hbm>> -> memref<80x2x128xi32, #tpu.memory_space<hbm>>
        tpu.wait_dma2 semaphore(%run_scoped3A : memref<!tpu.dma_semaphore, #tpu.memory_space<semaphore_mem>>) src(%dma_wait3A_41 : memref<80x2x128xi32, #tpu.memory_space<hbm>>) dst(%dma_wait3A_38 : memref<80x2x128xi32, #tpu.memory_space<vmem>>)
        tpu.yield
      }) : () -> ()
      "tpu.region"() ({
        %run_scoped3A = tpu.sem_alloc : memref<!tpu.dma_semaphore, #tpu.memory_space<semaphore_mem>>
        %dma_start3A = arith.constant 80 : i32
        %dma_start3A_16 = arith.constant 0 : i32
        %dma_start3A_17 = arith.constant 0 : i32
        %dma_start3A_18 = tpu.memref_slice %arg8[%dma_start3A, %dma_start3A_16, %dma_start3A_17] : memref<84x2x128xi32, #tpu.memory_space<vmem>> -> memref<4x2x128xi32, #tpu.memory_space<vmem>>
        %dma_start3A_19 = arith.constant 0 : i32
        %dma_start3A_20 = arith.constant 0 : i32
        %dma_start3A_21 = arith.constant 0 : i32
        %dma_start3A_22 = tpu.memref_slice %arg3[%dma_start3A_19, %dma_start3A_20, %dma_start3A_21] : memref<64x2x128xi32, #tpu.memory_space<hbm>> -> memref<4x2x128xi32, #tpu.memory_space<hbm>>
        %dma_start3A_23 = arith.constant 80 : i32
        %dma_start3A_24 = arith.constant 0 : i32
        %dma_start3A_25 = arith.constant 0 : i32
        %dma_start3A_26 = tpu.memref_slice %arg8[%dma_start3A_23, %dma_start3A_24, %dma_start3A_25] : memref<84x2x128xi32, #tpu.memory_space<vmem>> -> memref<4x2x128xi32, #tpu.memory_space<vmem>>
        %dma_start3A_27 = arith.constant 0 : i32
        %dma_start3A_28 = arith.constant 0 : i32
        %dma_start3A_29 = arith.constant 0 : i32
        %dma_start3A_30 = tpu.memref_slice %arg3[%dma_start3A_27, %dma_start3A_28, %dma_start3A_29] : memref<64x2x128xi32, #tpu.memory_space<hbm>> -> memref<4x2x128xi32, #tpu.memory_space<hbm>>
        tpu.enqueue_dma source(%dma_start3A_30 : memref<4x2x128xi32, #tpu.memory_space<hbm>>) target(%dma_start3A_26 : memref<4x2x128xi32, #tpu.memory_space<vmem>>) target_semaphore(%run_scoped3A : memref<!tpu.dma_semaphore, #tpu.memory_space<semaphore_mem>>)
        %dma_wait3A = arith.constant 80 : i32
        %dma_wait3A_31 = arith.constant 0 : i32
        %dma_wait3A_32 = arith.constant 0 : i32
        %dma_wait3A_33 = tpu.memref_slice %arg8[%dma_wait3A, %dma_wait3A_31, %dma_wait3A_32] : memref<84x2x128xi32, #tpu.memory_space<vmem>> -> memref<4x2x128xi32, #tpu.memory_space<vmem>>
        %dma_wait3A_34 = arith.constant 0 : i32
        %dma_wait3A_35 = arith.constant 0 : i32
        %dma_wait3A_36 = arith.constant 0 : i32
        %dma_wait3A_37 = tpu.memref_slice %arg3[%dma_wait3A_34, %dma_wait3A_35, %dma_wait3A_36] : memref<64x2x128xi32, #tpu.memory_space<hbm>> -> memref<4x2x128xi32, #tpu.memory_space<hbm>>
        %dma_wait3A_38 = arith.constant 80 : i32
        %dma_wait3A_39 = arith.constant 0 : i32
        %dma_wait3A_40 = arith.constant 0 : i32
        %dma_wait3A_41 = tpu.memref_slice %arg8[%dma_wait3A_38, %dma_wait3A_39, %dma_wait3A_40] : memref<84x2x128xi32, #tpu.memory_space<vmem>> -> memref<4x2x128xi32, #tpu.memory_space<vmem>>
        %dma_wait3A_42 = arith.constant 0 : i32
        %dma_wait3A_43 = arith.constant 0 : i32
        %dma_wait3A_44 = arith.constant 0 : i32
        %dma_wait3A_45 = tpu.memref_slice %arg3[%dma_wait3A_42, %dma_wait3A_43, %dma_wait3A_44] : memref<64x2x128xi32, #tpu.memory_space<hbm>> -> memref<4x2x128xi32, #tpu.memory_space<hbm>>
        tpu.wait_dma2 semaphore(%run_scoped3A : memref<!tpu.dma_semaphore, #tpu.memory_space<semaphore_mem>>) src(%dma_wait3A_45 : memref<4x2x128xi32, #tpu.memory_space<hbm>>) dst(%dma_wait3A_41 : memref<4x2x128xi32, #tpu.memory_space<vmem>>)
        tpu.yield
      }) : () -> ()
    } else {
    }
    %eq3A = arith.constant 31 : i32
    %eq3A_5 = arith.cmpi eq, %add3A, %eq3A : i32
    %convert_element_type3A_6 = arith.extui %eq3A_5 : i1 to i32
    %cond3A_7 = arith.constant 0 : i32
    %cond3A_8 = arith.cmpi ne, %convert_element_type3A_6, %cond3A_7 : i32
    scf.if %cond3A_8 {
      "tpu.region"() ({
        %run_scoped3A = tpu.sem_alloc : memref<!tpu.dma_semaphore, #tpu.memory_space<semaphore_mem>>
        %dma_start3A = arith.constant 0 : i32
        %dma_start3A_14 = arith.constant 0 : i32
        %dma_start3A_15 = arith.constant 0 : i32
        %dma_start3A_16 = tpu.memref_slice %arg8[%dma_start3A, %dma_start3A_14, %dma_start3A_15] : memref<84x2x128xi32, #tpu.memory_space<vmem>> -> memref<20x2x128xi32, #tpu.memory_space<vmem>>
        %dma_start3A_17 = arith.constant 2480 : i32
        %dma_start3A_18 = arith.constant 0 : i32
        %dma_start3A_19 = arith.constant 0 : i32
        %dma_start3A_20 = tpu.memref_slice %arg2[%dma_start3A_17, %dma_start3A_18, %dma_start3A_19] : memref<2500x2x128xi32, #tpu.memory_space<hbm>> -> memref<20x2x128xi32, #tpu.memory_space<hbm>>
        %dma_start3A_21 = arith.constant 0 : i32
        %dma_start3A_22 = arith.constant 0 : i32
        %dma_start3A_23 = arith.constant 0 : i32
        %dma_start3A_24 = tpu.memref_slice %arg8[%dma_start3A_21, %dma_start3A_22, %dma_start3A_23] : memref<84x2x128xi32, #tpu.memory_space<vmem>> -> memref<20x2x128xi32, #tpu.memory_space<vmem>>
        %dma_start3A_25 = arith.constant 2480 : i32
        %dma_start3A_26 = arith.constant 0 : i32
        %dma_start3A_27 = arith.constant 0 : i32
        %dma_start3A_28 = tpu.memref_slice %arg2[%dma_start3A_25, %dma_start3A_26, %dma_start3A_27] : memref<2500x2x128xi32, #tpu.memory_space<hbm>> -> memref<20x2x128xi32, #tpu.memory_space<hbm>>
        tpu.enqueue_dma source(%dma_start3A_28 : memref<20x2x128xi32, #tpu.memory_space<hbm>>) target(%dma_start3A_24 : memref<20x2x128xi32, #tpu.memory_space<vmem>>) target_semaphore(%run_scoped3A : memref<!tpu.dma_semaphore, #tpu.memory_space<semaphore_mem>>)
        %dma_wait3A = arith.constant 0 : i32
        %dma_wait3A_29 = arith.constant 0 : i32
        %dma_wait3A_30 = arith.constant 0 : i32
        %dma_wait3A_31 = tpu.memref_slice %arg8[%dma_wait3A, %dma_wait3A_29, %dma_wait3A_30] : memref<84x2x128xi32, #tpu.memory_space<vmem>> -> memref<20x2x128xi32, #tpu.memory_space<vmem>>
        %dma_wait3A_32 = arith.constant 2480 : i32
        %dma_wait3A_33 = arith.constant 0 : i32
        %dma_wait3A_34 = arith.constant 0 : i32
        %dma_wait3A_35 = tpu.memref_slice %arg2[%dma_wait3A_32, %dma_wait3A_33, %dma_wait3A_34] : memref<2500x2x128xi32, #tpu.memory_space<hbm>> -> memref<20x2x128xi32, #tpu.memory_space<hbm>>
        %dma_wait3A_36 = arith.constant 0 : i32
        %dma_wait3A_37 = arith.constant 0 : i32
        %dma_wait3A_38 = arith.constant 0 : i32
        %dma_wait3A_39 = tpu.memref_slice %arg8[%dma_wait3A_36, %dma_wait3A_37, %dma_wait3A_38] : memref<84x2x128xi32, #tpu.memory_space<vmem>> -> memref<20x2x128xi32, #tpu.memory_space<vmem>>
        %dma_wait3A_40 = arith.constant 2480 : i32
        %dma_wait3A_41 = arith.constant 0 : i32
        %dma_wait3A_42 = arith.constant 0 : i32
        %dma_wait3A_43 = tpu.memref_slice %arg2[%dma_wait3A_40, %dma_wait3A_41, %dma_wait3A_42] : memref<2500x2x128xi32, #tpu.memory_space<hbm>> -> memref<20x2x128xi32, #tpu.memory_space<hbm>>
        tpu.wait_dma2 semaphore(%run_scoped3A : memref<!tpu.dma_semaphore, #tpu.memory_space<semaphore_mem>>) src(%dma_wait3A_43 : memref<20x2x128xi32, #tpu.memory_space<hbm>>) dst(%dma_wait3A_39 : memref<20x2x128xi32, #tpu.memory_space<vmem>>)
        tpu.yield
      }) : () -> ()
      "tpu.region"() ({
        %run_scoped3A = tpu.sem_alloc : memref<!tpu.dma_semaphore, #tpu.memory_space<semaphore_mem>>
        %dma_start3A = arith.constant 20 : i32
        %dma_start3A_14 = arith.constant 0 : i32
        %dma_start3A_15 = arith.constant 0 : i32
        %dma_start3A_16 = tpu.memref_slice %arg8[%dma_start3A, %dma_start3A_14, %dma_start3A_15] : memref<84x2x128xi32, #tpu.memory_space<vmem>> -> memref<64x2x128xi32, #tpu.memory_space<vmem>>
        %dma_start3A_17 = arith.constant 20 : i32
        %dma_start3A_18 = arith.constant 0 : i32
        %dma_start3A_19 = arith.constant 0 : i32
        %dma_start3A_20 = tpu.memref_slice %arg8[%dma_start3A_17, %dma_start3A_18, %dma_start3A_19] : memref<84x2x128xi32, #tpu.memory_space<vmem>> -> memref<64x2x128xi32, #tpu.memory_space<vmem>>
        tpu.enqueue_dma source(%arg3 : memref<64x2x128xi32, #tpu.memory_space<hbm>>) target(%dma_start3A_20 : memref<64x2x128xi32, #tpu.memory_space<vmem>>) target_semaphore(%run_scoped3A : memref<!tpu.dma_semaphore, #tpu.memory_space<semaphore_mem>>)
        %dma_wait3A = arith.constant 20 : i32
        %dma_wait3A_21 = arith.constant 0 : i32
        %dma_wait3A_22 = arith.constant 0 : i32
        %dma_wait3A_23 = tpu.memref_slice %arg8[%dma_wait3A, %dma_wait3A_21, %dma_wait3A_22] : memref<84x2x128xi32, #tpu.memory_space<vmem>> -> memref<64x2x128xi32, #tpu.memory_space<vmem>>
        %dma_wait3A_24 = arith.constant 20 : i32
        %dma_wait3A_25 = arith.constant 0 : i32
        %dma_wait3A_26 = arith.constant 0 : i32
        %dma_wait3A_27 = tpu.memref_slice %arg8[%dma_wait3A_24, %dma_wait3A_25, %dma_wait3A_26] : memref<84x2x128xi32, #tpu.memory_space<vmem>> -> memref<64x2x128xi32, #tpu.memory_space<vmem>>
        tpu.wait_dma2 semaphore(%run_scoped3A : memref<!tpu.dma_semaphore, #tpu.memory_space<semaphore_mem>>) src(%arg3 : memref<64x2x128xi32, #tpu.memory_space<hbm>>) dst(%dma_wait3A_27 : memref<64x2x128xi32, #tpu.memory_space<vmem>>)
        tpu.yield
      }) : () -> ()
    } else {
    }
    %barrier3A = arith.constant 0 : index
    tpu.barrier barrier_id(%barrier3A)
    %scan3A = arith.constant 0 : i32
    %scan3A_9 = arith.constant 80 : i32
    %scan3A_10 = arith.addi %scan3A, %scan3A_9 : i32
    %scan3A_11 = arith.constant 1 : i32
    scf.for %scan3A_14 = %scan3A to %scan3A_10 step %scan3A_11  : i32 {
      %mul3A_15 = arith.constant 1 : i32
      %mul3A_16 = arith.muli %scan3A_14, %mul3A_15 : i32
      %add3A_17 = arith.constant 0 : i32
      %add3A_18 = arith.addi %add3A_17, %mul3A_16 : i32
      %run_scoped3A = arith.constant 1 : i32
      "tpu.region"() ({
        %run_scoped3A_19 = tpu.sem_alloc : memref<!tpu.dma_semaphore, #tpu.memory_space<semaphore_mem>>
        %dma_start3A = arith.constant 0 : i32
        %dma_start3A_20 = tpu.memref_slice %arg8[%add3A_18, %run_scoped3A, %dma_start3A] : memref<84x2x128xi32, #tpu.memory_space<vmem>> -> memref<1x1x128xi32, #tpu.memory_space<vmem>>
        %dma_start3A_21 = tpu.memref_squeeze %dma_start3A_20 : memref<1x1x128xi32, #tpu.memory_space<vmem>> -> memref<128xi32, #tpu.memory_space<vmem>>
        %dma_start3A_22 = arith.constant 0 : i32
        %dma_start3A_23 = arith.constant 0 : i32
        %dma_start3A_24 = tpu.memref_slice %arg7[%dma_start3A_22, %dma_start3A_23] : memref<10112x8xf32, #tpu.memory_space<vmem_shared>> -> memref<10112x8xf32, #tpu.memory_space<vmem_shared>>
        tpu.enqueue_indirect_dma source(%arg9 : memref<128x8xf32, #tpu.memory_space<vmem>>) target(%dma_start3A_24 : memref<10112x8xf32, #tpu.memory_space<vmem_shared>>) offsets(%dma_start3A_21 : memref<128xi32, #tpu.memory_space<vmem>>) semaphore(%run_scoped3A_19 : memref<!tpu.dma_semaphore, #tpu.memory_space<semaphore_mem>>) {add = true}
        %dma_wait3A = arith.constant 0 : i32
        %dma_wait3A_25 = tpu.memref_slice %arg8[%add3A_18, %run_scoped3A, %dma_wait3A] : memref<84x2x128xi32, #tpu.memory_space<vmem>> -> memref<1x1x128xi32, #tpu.memory_space<vmem>>
        %dma_wait3A_26 = tpu.memref_squeeze %dma_wait3A_25 : memref<1x1x128xi32, #tpu.memory_space<vmem>> -> memref<128xi32, #tpu.memory_space<vmem>>
        %dma_wait3A_27 = arith.constant 0 : i32
        %dma_wait3A_28 = arith.constant 0 : i32
        %dma_wait3A_29 = tpu.memref_slice %arg7[%dma_wait3A_27, %dma_wait3A_28] : memref<10112x8xf32, #tpu.memory_space<vmem_shared>> -> memref<10112x8xf32, #tpu.memory_space<vmem_shared>>
        tpu.wait_indirect_dma semaphore(%run_scoped3A_19 : memref<!tpu.dma_semaphore, #tpu.memory_space<semaphore_mem>>) src(%arg9 : memref<128x8xf32, #tpu.memory_space<vmem>>) dst(%dma_wait3A_29 : memref<10112x8xf32, #tpu.memory_space<vmem_shared>>)
        tpu.yield
      }) : () -> ()
    }
    %scan3A_12 = arith.constant 80 : i32
    %barrier3A_13 = arith.constant 0 : index
    tpu.barrier barrier_id(%barrier3A_13)
    "tpu.region"() ({
      %run_scoped3A = tpu.sem_alloc : memref<!tpu.dma_semaphore, #tpu.memory_space<semaphore_mem>>
      %dma_start3A = arith.constant 0 : i32
      %dma_start3A_14 = tpu.memref_slice %arg6[%arg0, %mul3A_2, %dma_start3A] : memref<2x10112x8xf32, #tpu.memory_space<hbm>> -> memref<1x632x8xf32, #tpu.memory_space<hbm>>
      %dma_start3A_15 = tpu.memref_squeeze %dma_start3A_14 : memref<1x632x8xf32, #tpu.memory_space<hbm>> -> memref<632x8xf32, #tpu.memory_space<hbm>>
      %dma_start3A_16 = arith.constant 0 : i32
      %dma_start3A_17 = tpu.memref_slice %arg7[%mul3A_2, %dma_start3A_16] : memref<10112x8xf32, #tpu.memory_space<vmem_shared>> -> memref<632x8xf32, #tpu.memory_space<vmem_shared>>
      tpu.enqueue_dma source(%dma_start3A_17 : memref<632x8xf32, #tpu.memory_space<vmem_shared>>) target(%dma_start3A_15 : memref<632x8xf32, #tpu.memory_space<hbm>>) target_semaphore(%run_scoped3A : memref<!tpu.dma_semaphore, #tpu.memory_space<semaphore_mem>>)
      %dma_wait3A = arith.constant 0 : i32
      %dma_wait3A_18 = tpu.memref_slice %arg6[%arg0, %mul3A_2, %dma_wait3A] : memref<2x10112x8xf32, #tpu.memory_space<hbm>> -> memref<1x632x8xf32, #tpu.memory_space<hbm>>
      %dma_wait3A_19 = tpu.memref_squeeze %dma_wait3A_18 : memref<1x632x8xf32, #tpu.memory_space<hbm>> -> memref<632x8xf32, #tpu.memory_space<hbm>>
      %dma_wait3A_20 = arith.constant 0 : i32
      %dma_wait3A_21 = tpu.memref_slice %arg7[%mul3A_2, %dma_wait3A_20] : memref<10112x8xf32, #tpu.memory_space<vmem_shared>> -> memref<632x8xf32, #tpu.memory_space<vmem_shared>>
      tpu.wait_dma2 semaphore(%run_scoped3A : memref<!tpu.dma_semaphore, #tpu.memory_space<semaphore_mem>>) src(%dma_wait3A_21 : memref<632x8xf32, #tpu.memory_space<vmem_shared>>) dst(%dma_wait3A_19 : memref<632x8xf32, #tpu.memory_space<hbm>>)
      tpu.yield
    }) : () -> ()
    return
  }
}

#map = affine_map<(d0, d1) -> (0, 0)>
#map1 = affine_map<(d0, d1) -> (0, 0, 0)>
module attributes {stable_mosaic.version = 14 : i64} {
  func.func @agg(%arg0: i32, %arg1: i32, %arg2: memref<10112x8xf32, #tpu.memory_space<hbm>>, %arg3: memref<2500x2x128xi32, #tpu.memory_space<hbm>>, %arg4: memref<64x2x128xi32, #tpu.memory_space<hbm>>, %arg5: memref<10112x8xf32, #tpu.memory_space<hbm>>, %arg6: memref<2x10112x8xf32, #tpu.memory_space<hbm>>, %arg7: memref<10112x8xf32, #tpu.memory_space<vmem_shared>>, %arg8: memref<10112x8xf32, #tpu.memory_space<vmem_shared>>, %arg9: memref<84x2x128xi32, #tpu.memory_space<vmem>>, %arg10: memref<128x8xf32, #tpu.memory_space<vmem>>, %arg11: memref<128x8xf32, #tpu.memory_space<vmem>>, %arg12: memref<!tpu.dma_semaphore, #tpu.memory_space<semaphore_mem>>, %arg13: memref<!tpu.dma_semaphore, #tpu.memory_space<semaphore_mem>>) attributes {dimension_semantics = [#tpu.dimension_semantics<core_parallel>, #tpu.dimension_semantics<subcore_parallel>], iteration_bounds = array<i64: 2, 16>, scalar_prefetch = 0 : i64, scratch_operands = 7 : i64, tpu.core_type = #tpu.core_type<sc_vector_subcore>, window_params = [{transform_indices = #map}, {transform_indices = #map1}, {transform_indices = #map1}, {transform_indices = #map}, {transform_indices = #map1}]} {
    %mul3A = arith.constant 16 : i32
    %mul3A_0 = arith.muli %arg0, %mul3A : i32
    %add3A = arith.addi %mul3A_0, %arg1 : i32
    %mul3A_1 = arith.constant 632 : i32
    %mul3A_2 = arith.muli %arg1, %mul3A_1 : i32
    "tpu.region"() ({
      %run_scoped3A = tpu.sem_alloc : memref<!tpu.dma_semaphore, #tpu.memory_space<semaphore_mem>>
      %dma_start3A_28 = arith.constant 0 : i32
      %dma_start3A_29 = tpu.memref_slice %arg7[%mul3A_2, %dma_start3A_28] : memref<10112x8xf32, #tpu.memory_space<vmem_shared>> -> memref<632x8xf32, #tpu.memory_space<vmem_shared>>
      %dma_start3A_30 = arith.constant 0 : i32
      %dma_start3A_31 = tpu.memref_slice %arg5[%mul3A_2, %dma_start3A_30] : memref<10112x8xf32, #tpu.memory_space<hbm>> -> memref<632x8xf32, #tpu.memory_space<hbm>>
      tpu.enqueue_dma source(%dma_start3A_31 : memref<632x8xf32, #tpu.memory_space<hbm>>) target(%dma_start3A_29 : memref<632x8xf32, #tpu.memory_space<vmem_shared>>) target_semaphore(%run_scoped3A : memref<!tpu.dma_semaphore, #tpu.memory_space<semaphore_mem>>)
      %dma_wait3A_32 = arith.constant 0 : i32
      %dma_wait3A_33 = tpu.memref_slice %arg7[%mul3A_2, %dma_wait3A_32] : memref<10112x8xf32, #tpu.memory_space<vmem_shared>> -> memref<632x8xf32, #tpu.memory_space<vmem_shared>>
      %dma_wait3A_34 = arith.constant 0 : i32
      %dma_wait3A_35 = tpu.memref_slice %arg5[%mul3A_2, %dma_wait3A_34] : memref<10112x8xf32, #tpu.memory_space<hbm>> -> memref<632x8xf32, #tpu.memory_space<hbm>>
      tpu.wait_dma2 semaphore(%run_scoped3A : memref<!tpu.dma_semaphore, #tpu.memory_space<semaphore_mem>>) src(%dma_wait3A_35 : memref<632x8xf32, #tpu.memory_space<hbm>>) dst(%dma_wait3A_33 : memref<632x8xf32, #tpu.memory_space<vmem_shared>>)
      tpu.yield
    }) : () -> ()
    "tpu.region"() ({
      %run_scoped3A = tpu.sem_alloc : memref<!tpu.dma_semaphore, #tpu.memory_space<semaphore_mem>>
      %dma_start3A_28 = arith.constant 0 : i32
      %dma_start3A_29 = tpu.memref_slice %arg8[%mul3A_2, %dma_start3A_28] : memref<10112x8xf32, #tpu.memory_space<vmem_shared>> -> memref<632x8xf32, #tpu.memory_space<vmem_shared>>
      %dma_start3A_30 = arith.constant 0 : i32
      %dma_start3A_31 = tpu.memref_slice %arg2[%mul3A_2, %dma_start3A_30] : memref<10112x8xf32, #tpu.memory_space<hbm>> -> memref<632x8xf32, #tpu.memory_space<hbm>>
      tpu.enqueue_dma source(%dma_start3A_31 : memref<632x8xf32, #tpu.memory_space<hbm>>) target(%dma_start3A_29 : memref<632x8xf32, #tpu.memory_space<vmem_shared>>) target_semaphore(%run_scoped3A : memref<!tpu.dma_semaphore, #tpu.memory_space<semaphore_mem>>)
      %dma_wait3A_32 = arith.constant 0 : i32
      %dma_wait3A_33 = tpu.memref_slice %arg8[%mul3A_2, %dma_wait3A_32] : memref<10112x8xf32, #tpu.memory_space<vmem_shared>> -> memref<632x8xf32, #tpu.memory_space<vmem_shared>>
      %dma_wait3A_34 = arith.constant 0 : i32
      %dma_wait3A_35 = tpu.memref_slice %arg2[%mul3A_2, %dma_wait3A_34] : memref<10112x8xf32, #tpu.memory_space<hbm>> -> memref<632x8xf32, #tpu.memory_space<hbm>>
      tpu.wait_dma2 semaphore(%run_scoped3A : memref<!tpu.dma_semaphore, #tpu.memory_space<semaphore_mem>>) src(%dma_wait3A_35 : memref<632x8xf32, #tpu.memory_space<hbm>>) dst(%dma_wait3A_33 : memref<632x8xf32, #tpu.memory_space<vmem_shared>>)
      tpu.yield
    }) : () -> ()
    %lt3A = arith.constant 31 : i32
    %lt3A_3 = arith.cmpi slt, %add3A, %lt3A : i32
    %convert_element_type3A = arith.extui %lt3A_3 : i1 to i32
    %cond3A = arith.constant 0 : i32
    %cond3A_4 = arith.cmpi ne, %convert_element_type3A, %cond3A : i32
    scf.if %cond3A_4 {
      %mul3A_28 = arith.constant 80 : i32
      %mul3A_29 = arith.muli %add3A, %mul3A_28 : i32
      "tpu.region"() ({
        %run_scoped3A = tpu.sem_alloc : memref<!tpu.dma_semaphore, #tpu.memory_space<semaphore_mem>>
        %dma_start3A_30 = arith.constant 0 : i32
        %dma_start3A_31 = arith.constant 0 : i32
        %dma_start3A_32 = arith.constant 0 : i32
        %dma_start3A_33 = tpu.memref_slice %arg9[%dma_start3A_30, %dma_start3A_31, %dma_start3A_32] : memref<84x2x128xi32, #tpu.memory_space<vmem>> -> memref<80x2x128xi32, #tpu.memory_space<vmem>>
        %dma_start3A_34 = arith.constant 0 : i32
        %dma_start3A_35 = arith.constant 0 : i32
        %dma_start3A_36 = tpu.memref_slice %arg3[%mul3A_29, %dma_start3A_34, %dma_start3A_35] : memref<2500x2x128xi32, #tpu.memory_space<hbm>> -> memref<80x2x128xi32, #tpu.memory_space<hbm>>
        %dma_start3A_37 = arith.constant 0 : i32
        %dma_start3A_38 = arith.constant 0 : i32
        %dma_start3A_39 = arith.constant 0 : i32
        %dma_start3A_40 = tpu.memref_slice %arg9[%dma_start3A_37, %dma_start3A_38, %dma_start3A_39] : memref<84x2x128xi32, #tpu.memory_space<vmem>> -> memref<80x2x128xi32, #tpu.memory_space<vmem>>
        %dma_start3A_41 = arith.constant 0 : i32
        %dma_start3A_42 = arith.constant 0 : i32
        %dma_start3A_43 = tpu.memref_slice %arg3[%mul3A_29, %dma_start3A_41, %dma_start3A_42] : memref<2500x2x128xi32, #tpu.memory_space<hbm>> -> memref<80x2x128xi32, #tpu.memory_space<hbm>>
        tpu.enqueue_dma source(%dma_start3A_43 : memref<80x2x128xi32, #tpu.memory_space<hbm>>) target(%dma_start3A_40 : memref<80x2x128xi32, #tpu.memory_space<vmem>>) target_semaphore(%run_scoped3A : memref<!tpu.dma_semaphore, #tpu.memory_space<semaphore_mem>>)
        %dma_wait3A_44 = arith.constant 0 : i32
        %dma_wait3A_45 = arith.constant 0 : i32
        %dma_wait3A_46 = arith.constant 0 : i32
        %dma_wait3A_47 = tpu.memref_slice %arg9[%dma_wait3A_44, %dma_wait3A_45, %dma_wait3A_46] : memref<84x2x128xi32, #tpu.memory_space<vmem>> -> memref<80x2x128xi32, #tpu.memory_space<vmem>>
        %dma_wait3A_48 = arith.constant 0 : i32
        %dma_wait3A_49 = arith.constant 0 : i32
        %dma_wait3A_50 = tpu.memref_slice %arg3[%mul3A_29, %dma_wait3A_48, %dma_wait3A_49] : memref<2500x2x128xi32, #tpu.memory_space<hbm>> -> memref<80x2x128xi32, #tpu.memory_space<hbm>>
        %dma_wait3A_51 = arith.constant 0 : i32
        %dma_wait3A_52 = arith.constant 0 : i32
        %dma_wait3A_53 = arith.constant 0 : i32
        %dma_wait3A_54 = tpu.memref_slice %arg9[%dma_wait3A_51, %dma_wait3A_52, %dma_wait3A_53] : memref<84x2x128xi32, #tpu.memory_space<vmem>> -> memref<80x2x128xi32, #tpu.memory_space<vmem>>
        %dma_wait3A_55 = arith.constant 0 : i32
        %dma_wait3A_56 = arith.constant 0 : i32
        %dma_wait3A_57 = tpu.memref_slice %arg3[%mul3A_29, %dma_wait3A_55, %dma_wait3A_56] : memref<2500x2x128xi32, #tpu.memory_space<hbm>> -> memref<80x2x128xi32, #tpu.memory_space<hbm>>
        tpu.wait_dma2 semaphore(%run_scoped3A : memref<!tpu.dma_semaphore, #tpu.memory_space<semaphore_mem>>) src(%dma_wait3A_57 : memref<80x2x128xi32, #tpu.memory_space<hbm>>) dst(%dma_wait3A_54 : memref<80x2x128xi32, #tpu.memory_space<vmem>>)
        tpu.yield
      }) : () -> ()
      "tpu.region"() ({
        %run_scoped3A = tpu.sem_alloc : memref<!tpu.dma_semaphore, #tpu.memory_space<semaphore_mem>>
        %dma_start3A_30 = arith.constant 80 : i32
        %dma_start3A_31 = arith.constant 0 : i32
        %dma_start3A_32 = arith.constant 0 : i32
        %dma_start3A_33 = tpu.memref_slice %arg9[%dma_start3A_30, %dma_start3A_31, %dma_start3A_32] : memref<84x2x128xi32, #tpu.memory_space<vmem>> -> memref<4x2x128xi32, #tpu.memory_space<vmem>>
        %dma_start3A_34 = arith.constant 0 : i32
        %dma_start3A_35 = arith.constant 0 : i32
        %dma_start3A_36 = arith.constant 0 : i32
        %dma_start3A_37 = tpu.memref_slice %arg4[%dma_start3A_34, %dma_start3A_35, %dma_start3A_36] : memref<64x2x128xi32, #tpu.memory_space<hbm>> -> memref<4x2x128xi32, #tpu.memory_space<hbm>>
        %dma_start3A_38 = arith.constant 80 : i32
        %dma_start3A_39 = arith.constant 0 : i32
        %dma_start3A_40 = arith.constant 0 : i32
        %dma_start3A_41 = tpu.memref_slice %arg9[%dma_start3A_38, %dma_start3A_39, %dma_start3A_40] : memref<84x2x128xi32, #tpu.memory_space<vmem>> -> memref<4x2x128xi32, #tpu.memory_space<vmem>>
        %dma_start3A_42 = arith.constant 0 : i32
        %dma_start3A_43 = arith.constant 0 : i32
        %dma_start3A_44 = arith.constant 0 : i32
        %dma_start3A_45 = tpu.memref_slice %arg4[%dma_start3A_42, %dma_start3A_43, %dma_start3A_44] : memref<64x2x128xi32, #tpu.memory_space<hbm>> -> memref<4x2x128xi32, #tpu.memory_space<hbm>>
        tpu.enqueue_dma source(%dma_start3A_45 : memref<4x2x128xi32, #tpu.memory_space<hbm>>) target(%dma_start3A_41 : memref<4x2x128xi32, #tpu.memory_space<vmem>>) target_semaphore(%run_scoped3A : memref<!tpu.dma_semaphore, #tpu.memory_space<semaphore_mem>>)
        %dma_wait3A_46 = arith.constant 80 : i32
        %dma_wait3A_47 = arith.constant 0 : i32
        %dma_wait3A_48 = arith.constant 0 : i32
        %dma_wait3A_49 = tpu.memref_slice %arg9[%dma_wait3A_46, %dma_wait3A_47, %dma_wait3A_48] : memref<84x2x128xi32, #tpu.memory_space<vmem>> -> memref<4x2x128xi32, #tpu.memory_space<vmem>>
        %dma_wait3A_50 = arith.constant 0 : i32
        %dma_wait3A_51 = arith.constant 0 : i32
        %dma_wait3A_52 = arith.constant 0 : i32
        %dma_wait3A_53 = tpu.memref_slice %arg4[%dma_wait3A_50, %dma_wait3A_51, %dma_wait3A_52] : memref<64x2x128xi32, #tpu.memory_space<hbm>> -> memref<4x2x128xi32, #tpu.memory_space<hbm>>
        %dma_wait3A_54 = arith.constant 80 : i32
        %dma_wait3A_55 = arith.constant 0 : i32
        %dma_wait3A_56 = arith.constant 0 : i32
        %dma_wait3A_57 = tpu.memref_slice %arg9[%dma_wait3A_54, %dma_wait3A_55, %dma_wait3A_56] : memref<84x2x128xi32, #tpu.memory_space<vmem>> -> memref<4x2x128xi32, #tpu.memory_space<vmem>>
        %dma_wait3A_58 = arith.constant 0 : i32
        %dma_wait3A_59 = arith.constant 0 : i32
        %dma_wait3A_60 = arith.constant 0 : i32
        %dma_wait3A_61 = tpu.memref_slice %arg4[%dma_wait3A_58, %dma_wait3A_59, %dma_wait3A_60] : memref<64x2x128xi32, #tpu.memory_space<hbm>> -> memref<4x2x128xi32, #tpu.memory_space<hbm>>
        tpu.wait_dma2 semaphore(%run_scoped3A : memref<!tpu.dma_semaphore, #tpu.memory_space<semaphore_mem>>) src(%dma_wait3A_61 : memref<4x2x128xi32, #tpu.memory_space<hbm>>) dst(%dma_wait3A_57 : memref<4x2x128xi32, #tpu.memory_space<vmem>>)
        tpu.yield
      }) : () -> ()
    } else {
    }
    %eq3A = arith.constant 31 : i32
    %eq3A_5 = arith.cmpi eq, %add3A, %eq3A : i32
    %convert_element_type3A_6 = arith.extui %eq3A_5 : i1 to i32
    %cond3A_7 = arith.constant 0 : i32
    %cond3A_8 = arith.cmpi ne, %convert_element_type3A_6, %cond3A_7 : i32
    scf.if %cond3A_8 {
      "tpu.region"() ({
        %run_scoped3A = tpu.sem_alloc : memref<!tpu.dma_semaphore, #tpu.memory_space<semaphore_mem>>
        %dma_start3A_28 = arith.constant 0 : i32
        %dma_start3A_29 = arith.constant 0 : i32
        %dma_start3A_30 = arith.constant 0 : i32
        %dma_start3A_31 = tpu.memref_slice %arg9[%dma_start3A_28, %dma_start3A_29, %dma_start3A_30] : memref<84x2x128xi32, #tpu.memory_space<vmem>> -> memref<20x2x128xi32, #tpu.memory_space<vmem>>
        %dma_start3A_32 = arith.constant 2480 : i32
        %dma_start3A_33 = arith.constant 0 : i32
        %dma_start3A_34 = arith.constant 0 : i32
        %dma_start3A_35 = tpu.memref_slice %arg3[%dma_start3A_32, %dma_start3A_33, %dma_start3A_34] : memref<2500x2x128xi32, #tpu.memory_space<hbm>> -> memref<20x2x128xi32, #tpu.memory_space<hbm>>
        %dma_start3A_36 = arith.constant 0 : i32
        %dma_start3A_37 = arith.constant 0 : i32
        %dma_start3A_38 = arith.constant 0 : i32
        %dma_start3A_39 = tpu.memref_slice %arg9[%dma_start3A_36, %dma_start3A_37, %dma_start3A_38] : memref<84x2x128xi32, #tpu.memory_space<vmem>> -> memref<20x2x128xi32, #tpu.memory_space<vmem>>
        %dma_start3A_40 = arith.constant 2480 : i32
        %dma_start3A_41 = arith.constant 0 : i32
        %dma_start3A_42 = arith.constant 0 : i32
        %dma_start3A_43 = tpu.memref_slice %arg3[%dma_start3A_40, %dma_start3A_41, %dma_start3A_42] : memref<2500x2x128xi32, #tpu.memory_space<hbm>> -> memref<20x2x128xi32, #tpu.memory_space<hbm>>
        tpu.enqueue_dma source(%dma_start3A_43 : memref<20x2x128xi32, #tpu.memory_space<hbm>>) target(%dma_start3A_39 : memref<20x2x128xi32, #tpu.memory_space<vmem>>) target_semaphore(%run_scoped3A : memref<!tpu.dma_semaphore, #tpu.memory_space<semaphore_mem>>)
        %dma_wait3A_44 = arith.constant 0 : i32
        %dma_wait3A_45 = arith.constant 0 : i32
        %dma_wait3A_46 = arith.constant 0 : i32
        %dma_wait3A_47 = tpu.memref_slice %arg9[%dma_wait3A_44, %dma_wait3A_45, %dma_wait3A_46] : memref<84x2x128xi32, #tpu.memory_space<vmem>> -> memref<20x2x128xi32, #tpu.memory_space<vmem>>
        %dma_wait3A_48 = arith.constant 2480 : i32
        %dma_wait3A_49 = arith.constant 0 : i32
        %dma_wait3A_50 = arith.constant 0 : i32
        %dma_wait3A_51 = tpu.memref_slice %arg3[%dma_wait3A_48, %dma_wait3A_49, %dma_wait3A_50] : memref<2500x2x128xi32, #tpu.memory_space<hbm>> -> memref<20x2x128xi32, #tpu.memory_space<hbm>>
        %dma_wait3A_52 = arith.constant 0 : i32
        %dma_wait3A_53 = arith.constant 0 : i32
        %dma_wait3A_54 = arith.constant 0 : i32
        %dma_wait3A_55 = tpu.memref_slice %arg9[%dma_wait3A_52, %dma_wait3A_53, %dma_wait3A_54] : memref<84x2x128xi32, #tpu.memory_space<vmem>> -> memref<20x2x128xi32, #tpu.memory_space<vmem>>
        %dma_wait3A_56 = arith.constant 2480 : i32
        %dma_wait3A_57 = arith.constant 0 : i32
        %dma_wait3A_58 = arith.constant 0 : i32
        %dma_wait3A_59 = tpu.memref_slice %arg3[%dma_wait3A_56, %dma_wait3A_57, %dma_wait3A_58] : memref<2500x2x128xi32, #tpu.memory_space<hbm>> -> memref<20x2x128xi32, #tpu.memory_space<hbm>>
        tpu.wait_dma2 semaphore(%run_scoped3A : memref<!tpu.dma_semaphore, #tpu.memory_space<semaphore_mem>>) src(%dma_wait3A_59 : memref<20x2x128xi32, #tpu.memory_space<hbm>>) dst(%dma_wait3A_55 : memref<20x2x128xi32, #tpu.memory_space<vmem>>)
        tpu.yield
      }) : () -> ()
      "tpu.region"() ({
        %run_scoped3A = tpu.sem_alloc : memref<!tpu.dma_semaphore, #tpu.memory_space<semaphore_mem>>
        %dma_start3A_28 = arith.constant 20 : i32
        %dma_start3A_29 = arith.constant 0 : i32
        %dma_start3A_30 = arith.constant 0 : i32
        %dma_start3A_31 = tpu.memref_slice %arg9[%dma_start3A_28, %dma_start3A_29, %dma_start3A_30] : memref<84x2x128xi32, #tpu.memory_space<vmem>> -> memref<64x2x128xi32, #tpu.memory_space<vmem>>
        %dma_start3A_32 = arith.constant 20 : i32
        %dma_start3A_33 = arith.constant 0 : i32
        %dma_start3A_34 = arith.constant 0 : i32
        %dma_start3A_35 = tpu.memref_slice %arg9[%dma_start3A_32, %dma_start3A_33, %dma_start3A_34] : memref<84x2x128xi32, #tpu.memory_space<vmem>> -> memref<64x2x128xi32, #tpu.memory_space<vmem>>
        tpu.enqueue_dma source(%arg4 : memref<64x2x128xi32, #tpu.memory_space<hbm>>) target(%dma_start3A_35 : memref<64x2x128xi32, #tpu.memory_space<vmem>>) target_semaphore(%run_scoped3A : memref<!tpu.dma_semaphore, #tpu.memory_space<semaphore_mem>>)
        %dma_wait3A_36 = arith.constant 20 : i32
        %dma_wait3A_37 = arith.constant 0 : i32
        %dma_wait3A_38 = arith.constant 0 : i32
        %dma_wait3A_39 = tpu.memref_slice %arg9[%dma_wait3A_36, %dma_wait3A_37, %dma_wait3A_38] : memref<84x2x128xi32, #tpu.memory_space<vmem>> -> memref<64x2x128xi32, #tpu.memory_space<vmem>>
        %dma_wait3A_40 = arith.constant 20 : i32
        %dma_wait3A_41 = arith.constant 0 : i32
        %dma_wait3A_42 = arith.constant 0 : i32
        %dma_wait3A_43 = tpu.memref_slice %arg9[%dma_wait3A_40, %dma_wait3A_41, %dma_wait3A_42] : memref<84x2x128xi32, #tpu.memory_space<vmem>> -> memref<64x2x128xi32, #tpu.memory_space<vmem>>
        tpu.wait_dma2 semaphore(%run_scoped3A : memref<!tpu.dma_semaphore, #tpu.memory_space<semaphore_mem>>) src(%arg4 : memref<64x2x128xi32, #tpu.memory_space<hbm>>) dst(%dma_wait3A_43 : memref<64x2x128xi32, #tpu.memory_space<vmem>>)
        tpu.yield
      }) : () -> ()
    } else {
    }
    %barrier3A = arith.constant 0 : index
    tpu.barrier barrier_id(%barrier3A)
    %dma_start3A = arith.constant 0 : i32
    %dma_start3A_9 = arith.constant 0 : i32
    %dma_start3A_10 = arith.constant 0 : i32
    %dma_start3A_11 = tpu.memref_slice %arg9[%dma_start3A, %dma_start3A_9, %dma_start3A_10] : memref<84x2x128xi32, #tpu.memory_space<vmem>> -> memref<1x1x128xi32, #tpu.memory_space<vmem>>
    %dma_start3A_12 = tpu.memref_squeeze %dma_start3A_11 : memref<1x1x128xi32, #tpu.memory_space<vmem>> -> memref<128xi32, #tpu.memory_space<vmem>>
    %dma_start3A_13 = arith.constant 0 : i32
    %dma_start3A_14 = arith.constant 0 : i32
    %dma_start3A_15 = tpu.memref_slice %arg8[%dma_start3A_13, %dma_start3A_14] : memref<10112x8xf32, #tpu.memory_space<vmem_shared>> -> memref<10112x8xf32, #tpu.memory_space<vmem_shared>>
    tpu.enqueue_indirect_dma source(%dma_start3A_15 : memref<10112x8xf32, #tpu.memory_space<vmem_shared>>) target(%arg10 : memref<128x8xf32, #tpu.memory_space<vmem>>) offsets(%dma_start3A_12 : memref<128xi32, #tpu.memory_space<vmem>>) semaphore(%arg12 : memref<!tpu.dma_semaphore, #tpu.memory_space<semaphore_mem>>)
    %scan3A = arith.constant 0 : i32
    %scan3A_16 = arith.constant 40 : i32
    %scan3A_17 = arith.addi %scan3A, %scan3A_16 : i32
    %scan3A_18 = arith.constant 1 : i32
    scf.for %scan3A_28 = %scan3A to %scan3A_17 step %scan3A_18  : i32 {
      %mul3A_29 = arith.constant 2 : i32
      %mul3A_30 = arith.muli %scan3A_28, %mul3A_29 : i32
      %add3A_31 = arith.constant 0 : i32
      %add3A_32 = arith.addi %add3A_31, %mul3A_30 : i32
      %add3A_33 = arith.constant 1 : i32
      %add3A_34 = arith.addi %add3A_32, %add3A_33 : i32
      %dma_start3A_35 = arith.constant 0 : i32
      %dma_start3A_36 = arith.constant 0 : i32
      %dma_start3A_37 = tpu.memref_slice %arg9[%add3A_34, %dma_start3A_35, %dma_start3A_36] : memref<84x2x128xi32, #tpu.memory_space<vmem>> -> memref<1x1x128xi32, #tpu.memory_space<vmem>>
      %dma_start3A_38 = tpu.memref_squeeze %dma_start3A_37 : memref<1x1x128xi32, #tpu.memory_space<vmem>> -> memref<128xi32, #tpu.memory_space<vmem>>
      %dma_start3A_39 = arith.constant 0 : i32
      %dma_start3A_40 = arith.constant 0 : i32
      %dma_start3A_41 = tpu.memref_slice %arg8[%dma_start3A_39, %dma_start3A_40] : memref<10112x8xf32, #tpu.memory_space<vmem_shared>> -> memref<10112x8xf32, #tpu.memory_space<vmem_shared>>
      tpu.enqueue_indirect_dma source(%dma_start3A_41 : memref<10112x8xf32, #tpu.memory_space<vmem_shared>>) target(%arg11 : memref<128x8xf32, #tpu.memory_space<vmem>>) offsets(%dma_start3A_38 : memref<128xi32, #tpu.memory_space<vmem>>) semaphore(%arg13 : memref<!tpu.dma_semaphore, #tpu.memory_space<semaphore_mem>>)
      %dma_wait3A_42 = arith.constant 0 : i32
      %dma_wait3A_43 = arith.constant 0 : i32
      %dma_wait3A_44 = tpu.memref_slice %arg9[%add3A_32, %dma_wait3A_42, %dma_wait3A_43] : memref<84x2x128xi32, #tpu.memory_space<vmem>> -> memref<1x1x128xi32, #tpu.memory_space<vmem>>
      %dma_wait3A_45 = tpu.memref_squeeze %dma_wait3A_44 : memref<1x1x128xi32, #tpu.memory_space<vmem>> -> memref<128xi32, #tpu.memory_space<vmem>>
      %dma_wait3A_46 = arith.constant 0 : i32
      %dma_wait3A_47 = arith.constant 0 : i32
      %dma_wait3A_48 = tpu.memref_slice %arg8[%dma_wait3A_46, %dma_wait3A_47] : memref<10112x8xf32, #tpu.memory_space<vmem_shared>> -> memref<10112x8xf32, #tpu.memory_space<vmem_shared>>
      tpu.wait_indirect_dma semaphore(%arg12 : memref<!tpu.dma_semaphore, #tpu.memory_space<semaphore_mem>>) src(%dma_wait3A_48 : memref<10112x8xf32, #tpu.memory_space<vmem_shared>>) dst(%arg10 : memref<128x8xf32, #tpu.memory_space<vmem>>)
      %run_scoped3A = arith.constant 1 : i32
      "tpu.region"() ({
        %run_scoped3A_70 = tpu.sem_alloc : memref<!tpu.dma_semaphore, #tpu.memory_space<semaphore_mem>>
        %dma_start3A_71 = arith.constant 0 : i32
        %dma_start3A_72 = tpu.memref_slice %arg9[%add3A_32, %run_scoped3A, %dma_start3A_71] : memref<84x2x128xi32, #tpu.memory_space<vmem>> -> memref<1x1x128xi32, #tpu.memory_space<vmem>>
        %dma_start3A_73 = tpu.memref_squeeze %dma_start3A_72 : memref<1x1x128xi32, #tpu.memory_space<vmem>> -> memref<128xi32, #tpu.memory_space<vmem>>
        %dma_start3A_74 = arith.constant 0 : i32
        %dma_start3A_75 = arith.constant 0 : i32
        %dma_start3A_76 = tpu.memref_slice %arg7[%dma_start3A_74, %dma_start3A_75] : memref<10112x8xf32, #tpu.memory_space<vmem_shared>> -> memref<10112x8xf32, #tpu.memory_space<vmem_shared>>
        tpu.enqueue_indirect_dma source(%arg10 : memref<128x8xf32, #tpu.memory_space<vmem>>) target(%dma_start3A_76 : memref<10112x8xf32, #tpu.memory_space<vmem_shared>>) offsets(%dma_start3A_73 : memref<128xi32, #tpu.memory_space<vmem>>) semaphore(%run_scoped3A_70 : memref<!tpu.dma_semaphore, #tpu.memory_space<semaphore_mem>>) {add = true}
        %dma_wait3A_77 = arith.constant 0 : i32
        %dma_wait3A_78 = tpu.memref_slice %arg9[%add3A_32, %run_scoped3A, %dma_wait3A_77] : memref<84x2x128xi32, #tpu.memory_space<vmem>> -> memref<1x1x128xi32, #tpu.memory_space<vmem>>
        %dma_wait3A_79 = tpu.memref_squeeze %dma_wait3A_78 : memref<1x1x128xi32, #tpu.memory_space<vmem>> -> memref<128xi32, #tpu.memory_space<vmem>>
        %dma_wait3A_80 = arith.constant 0 : i32
        %dma_wait3A_81 = arith.constant 0 : i32
        %dma_wait3A_82 = tpu.memref_slice %arg7[%dma_wait3A_80, %dma_wait3A_81] : memref<10112x8xf32, #tpu.memory_space<vmem_shared>> -> memref<10112x8xf32, #tpu.memory_space<vmem_shared>>
        tpu.wait_indirect_dma semaphore(%run_scoped3A_70 : memref<!tpu.dma_semaphore, #tpu.memory_space<semaphore_mem>>) src(%arg10 : memref<128x8xf32, #tpu.memory_space<vmem>>) dst(%dma_wait3A_82 : memref<10112x8xf32, #tpu.memory_space<vmem_shared>>)
        tpu.yield
      }) : () -> ()
      %add3A_49 = arith.constant 2 : i32
      %add3A_50 = arith.addi %add3A_32, %add3A_49 : i32
      %dma_start3A_51 = arith.constant 0 : i32
      %dma_start3A_52 = arith.constant 0 : i32
      %dma_start3A_53 = tpu.memref_slice %arg9[%add3A_50, %dma_start3A_51, %dma_start3A_52] : memref<84x2x128xi32, #tpu.memory_space<vmem>> -> memref<1x1x128xi32, #tpu.memory_space<vmem>>
      %dma_start3A_54 = tpu.memref_squeeze %dma_start3A_53 : memref<1x1x128xi32, #tpu.memory_space<vmem>> -> memref<128xi32, #tpu.memory_space<vmem>>
      %dma_start3A_55 = arith.constant 0 : i32
      %dma_start3A_56 = arith.constant 0 : i32
      %dma_start3A_57 = tpu.memref_slice %arg8[%dma_start3A_55, %dma_start3A_56] : memref<10112x8xf32, #tpu.memory_space<vmem_shared>> -> memref<10112x8xf32, #tpu.memory_space<vmem_shared>>
      tpu.enqueue_indirect_dma source(%dma_start3A_57 : memref<10112x8xf32, #tpu.memory_space<vmem_shared>>) target(%arg10 : memref<128x8xf32, #tpu.memory_space<vmem>>) offsets(%dma_start3A_54 : memref<128xi32, #tpu.memory_space<vmem>>) semaphore(%arg12 : memref<!tpu.dma_semaphore, #tpu.memory_space<semaphore_mem>>)
      %add3A_58 = arith.constant 1 : i32
      %add3A_59 = arith.addi %add3A_32, %add3A_58 : i32
      %dma_wait3A_60 = arith.constant 0 : i32
      %dma_wait3A_61 = arith.constant 0 : i32
      %dma_wait3A_62 = tpu.memref_slice %arg9[%add3A_59, %dma_wait3A_60, %dma_wait3A_61] : memref<84x2x128xi32, #tpu.memory_space<vmem>> -> memref<1x1x128xi32, #tpu.memory_space<vmem>>
      %dma_wait3A_63 = tpu.memref_squeeze %dma_wait3A_62 : memref<1x1x128xi32, #tpu.memory_space<vmem>> -> memref<128xi32, #tpu.memory_space<vmem>>
      %dma_wait3A_64 = arith.constant 0 : i32
      %dma_wait3A_65 = arith.constant 0 : i32
      %dma_wait3A_66 = tpu.memref_slice %arg8[%dma_wait3A_64, %dma_wait3A_65] : memref<10112x8xf32, #tpu.memory_space<vmem_shared>> -> memref<10112x8xf32, #tpu.memory_space<vmem_shared>>
      tpu.wait_indirect_dma semaphore(%arg13 : memref<!tpu.dma_semaphore, #tpu.memory_space<semaphore_mem>>) src(%dma_wait3A_66 : memref<10112x8xf32, #tpu.memory_space<vmem_shared>>) dst(%arg11 : memref<128x8xf32, #tpu.memory_space<vmem>>)
      %add3A_67 = arith.constant 1 : i32
      %add3A_68 = arith.addi %add3A_32, %add3A_67 : i32
      %run_scoped3A_69 = arith.constant 1 : i32
      "tpu.region"() ({
        %run_scoped3A_70 = tpu.sem_alloc : memref<!tpu.dma_semaphore, #tpu.memory_space<semaphore_mem>>
        %dma_start3A_71 = arith.constant 0 : i32
        %dma_start3A_72 = tpu.memref_slice %arg9[%add3A_68, %run_scoped3A_69, %dma_start3A_71] : memref<84x2x128xi32, #tpu.memory_space<vmem>> -> memref<1x1x128xi32, #tpu.memory_space<vmem>>
        %dma_start3A_73 = tpu.memref_squeeze %dma_start3A_72 : memref<1x1x128xi32, #tpu.memory_space<vmem>> -> memref<128xi32, #tpu.memory_space<vmem>>
        %dma_start3A_74 = arith.constant 0 : i32
        %dma_start3A_75 = arith.constant 0 : i32
        %dma_start3A_76 = tpu.memref_slice %arg7[%dma_start3A_74, %dma_start3A_75] : memref<10112x8xf32, #tpu.memory_space<vmem_shared>> -> memref<10112x8xf32, #tpu.memory_space<vmem_shared>>
        tpu.enqueue_indirect_dma source(%arg11 : memref<128x8xf32, #tpu.memory_space<vmem>>) target(%dma_start3A_76 : memref<10112x8xf32, #tpu.memory_space<vmem_shared>>) offsets(%dma_start3A_73 : memref<128xi32, #tpu.memory_space<vmem>>) semaphore(%run_scoped3A_70 : memref<!tpu.dma_semaphore, #tpu.memory_space<semaphore_mem>>) {add = true}
        %dma_wait3A_77 = arith.constant 0 : i32
        %dma_wait3A_78 = tpu.memref_slice %arg9[%add3A_68, %run_scoped3A_69, %dma_wait3A_77] : memref<84x2x128xi32, #tpu.memory_space<vmem>> -> memref<1x1x128xi32, #tpu.memory_space<vmem>>
        %dma_wait3A_79 = tpu.memref_squeeze %dma_wait3A_78 : memref<1x1x128xi32, #tpu.memory_space<vmem>> -> memref<128xi32, #tpu.memory_space<vmem>>
        %dma_wait3A_80 = arith.constant 0 : i32
        %dma_wait3A_81 = arith.constant 0 : i32
        %dma_wait3A_82 = tpu.memref_slice %arg7[%dma_wait3A_80, %dma_wait3A_81] : memref<10112x8xf32, #tpu.memory_space<vmem_shared>> -> memref<10112x8xf32, #tpu.memory_space<vmem_shared>>
        tpu.wait_indirect_dma semaphore(%run_scoped3A_70 : memref<!tpu.dma_semaphore, #tpu.memory_space<semaphore_mem>>) src(%arg11 : memref<128x8xf32, #tpu.memory_space<vmem>>) dst(%dma_wait3A_82 : memref<10112x8xf32, #tpu.memory_space<vmem_shared>>)
        tpu.yield
      }) : () -> ()
    }
    %scan3A_19 = arith.constant 40 : i32
    %dma_wait3A = arith.constant 0 : i32
    %dma_wait3A_20 = arith.constant 0 : i32
    %dma_wait3A_21 = arith.constant 0 : i32
    %dma_wait3A_22 = tpu.memref_slice %arg9[%dma_wait3A, %dma_wait3A_20, %dma_wait3A_21] : memref<84x2x128xi32, #tpu.memory_space<vmem>> -> memref<1x1x128xi32, #tpu.memory_space<vmem>>
    %dma_wait3A_23 = tpu.memref_squeeze %dma_wait3A_22 : memref<1x1x128xi32, #tpu.memory_space<vmem>> -> memref<128xi32, #tpu.memory_space<vmem>>
    %dma_wait3A_24 = arith.constant 0 : i32
    %dma_wait3A_25 = arith.constant 0 : i32
    %dma_wait3A_26 = tpu.memref_slice %arg8[%dma_wait3A_24, %dma_wait3A_25] : memref<10112x8xf32, #tpu.memory_space<vmem_shared>> -> memref<10112x8xf32, #tpu.memory_space<vmem_shared>>
    tpu.wait_indirect_dma semaphore(%arg12 : memref<!tpu.dma_semaphore, #tpu.memory_space<semaphore_mem>>) src(%dma_wait3A_26 : memref<10112x8xf32, #tpu.memory_space<vmem_shared>>) dst(%arg10 : memref<128x8xf32, #tpu.memory_space<vmem>>)
    %barrier3A_27 = arith.constant 0 : index
    tpu.barrier barrier_id(%barrier3A_27)
    "tpu.region"() ({
      %run_scoped3A = tpu.sem_alloc : memref<!tpu.dma_semaphore, #tpu.memory_space<semaphore_mem>>
      %dma_start3A_28 = arith.constant 0 : i32
      %dma_start3A_29 = tpu.memref_slice %arg6[%arg0, %mul3A_2, %dma_start3A_28] : memref<2x10112x8xf32, #tpu.memory_space<hbm>> -> memref<1x632x8xf32, #tpu.memory_space<hbm>>
      %dma_start3A_30 = tpu.memref_squeeze %dma_start3A_29 : memref<1x632x8xf32, #tpu.memory_space<hbm>> -> memref<632x8xf32, #tpu.memory_space<hbm>>
      %dma_start3A_31 = arith.constant 0 : i32
      %dma_start3A_32 = tpu.memref_slice %arg7[%mul3A_2, %dma_start3A_31] : memref<10112x8xf32, #tpu.memory_space<vmem_shared>> -> memref<632x8xf32, #tpu.memory_space<vmem_shared>>
      tpu.enqueue_dma source(%dma_start3A_32 : memref<632x8xf32, #tpu.memory_space<vmem_shared>>) target(%dma_start3A_30 : memref<632x8xf32, #tpu.memory_space<hbm>>) target_semaphore(%run_scoped3A : memref<!tpu.dma_semaphore, #tpu.memory_space<semaphore_mem>>)
      %dma_wait3A_33 = arith.constant 0 : i32
      %dma_wait3A_34 = tpu.memref_slice %arg6[%arg0, %mul3A_2, %dma_wait3A_33] : memref<2x10112x8xf32, #tpu.memory_space<hbm>> -> memref<1x632x8xf32, #tpu.memory_space<hbm>>
      %dma_wait3A_35 = tpu.memref_squeeze %dma_wait3A_34 : memref<1x632x8xf32, #tpu.memory_space<hbm>> -> memref<632x8xf32, #tpu.memory_space<hbm>>
      %dma_wait3A_36 = arith.constant 0 : i32
      %dma_wait3A_37 = tpu.memref_slice %arg7[%mul3A_2, %dma_wait3A_36] : memref<10112x8xf32, #tpu.memory_space<vmem_shared>> -> memref<632x8xf32, #tpu.memory_space<vmem_shared>>
      tpu.wait_dma2 semaphore(%run_scoped3A : memref<!tpu.dma_semaphore, #tpu.memory_space<semaphore_mem>>) src(%dma_wait3A_37 : memref<632x8xf32, #tpu.memory_space<vmem_shared>>) dst(%dma_wait3A_35 : memref<632x8xf32, #tpu.memory_space<hbm>>)
      tpu.yield
    }) : () -> ()
    return
  }
}

module attributes {stable_mosaic.version = 14 : i64} {
  func.func @body(%arg0: i32, %arg1: memref<5056x128xf32, #tpu.memory_space<vmem>>, %arg2: memref<128x16xf32, #tpu.memory_space<vmem>>, %arg3: memref<5056x16xf32, #tpu.memory_space<vmem>>) attributes {dimension_semantics = [#tpu.dimension_semantics<arbitrary>], iteration_bounds = array<i64: 2>, scalar_prefetch = 0 : i64, scratch_operands = 0 : i64, tpu.core_type = #tpu.core_type<tc>, window_params = [{transform_indices = @transform_0, window_bounds = array<i64: 5056, 128>}, {pipeline_mode = #tpu.pipeline_mode<synchronous>, transform_indices = @transform_1, window_bounds = array<i64: 128, 16>}, {transform_indices = @transform_2, window_bounds = array<i64: 5056, 16>}]} {
    %get3A = arith.constant 0 : index
    %get3A_0 = arith.constant 0 : index
    %get3A_1 = vector.load %arg1[%get3A, %get3A_0] : memref<5056x128xf32, #tpu.memory_space<vmem>>, vector<5056x128xf32>
    %get3A_2 = arith.constant 0 : index
    %get3A_3 = arith.constant 0 : index
    %get3A_4 = vector.load %arg2[%get3A_2, %get3A_3] : memref<128x16xf32, #tpu.memory_space<vmem>>, vector<128x16xf32>
    %dot_general3A = arith.constant dense<0.000000e+00> : vector<5056x16xf32>
    %dot_general3A_5 = tpu.matmul %get3A_1, %get3A_4, %dot_general3A {dimension_numbers = #tpu.dot_dimension_numbers<[1], [0], [0], [1], [0, 0, 1, 1], [], []>, transpose_lhs_hint = false} : vector<5056x128xf32>, vector<128x16xf32>, vector<5056x16xf32> -> vector<5056x16xf32>
    %swap3A = arith.constant 0 : index
    %swap3A_6 = arith.constant 0 : index
    %swap3A_7 = vector.load %arg3[%swap3A, %swap3A_6] : memref<5056x16xf32, #tpu.memory_space<vmem>>, vector<5056x16xf32>
    tpu.vector_store %arg3[%swap3A, %swap3A_6], %dot_general3A_5 {strides = array<i32>} : memref<5056x16xf32, #tpu.memory_space<vmem>>, vector<5056x16xf32>,
    return
  }
  func.func @transform_0(%arg0: i32) -> (i32, i32) {
    %c0_i32 = arith.constant 0 : i32
    %c0_i32_0 = arith.constant 0 : i32
    return %arg0, %c0_i32 : i32, i32
  }
  func.func @transform_1(%arg0: i32) -> (i32, i32) {
    %c0_i32 = arith.constant 0 : i32
    %c0_i32_0 = arith.constant 0 : i32
    %c0_i32_1 = arith.constant 0 : i32
    return %c0_i32, %c0_i32_0 : i32, i32
  }
  func.func @transform_2(%arg0: i32) -> (i32, i32) {
    %c0_i32 = arith.constant 0 : i32
    %c0_i32_0 = arith.constant 0 : i32
    return %arg0, %c0_i32 : i32, i32
  }
}

module attributes {stable_mosaic.version = 14 : i64} {
  func.func @body(%arg0: i32, %arg1: memref<2x5056x8xf32, #tpu.memory_space<vmem>>, %arg2: memref<5056x16xf32, #tpu.memory_space<vmem>>, %arg3: memref<5056x16xf32, #tpu.memory_space<vmem>>, %arg4: memref<5056x1xf32, #tpu.memory_space<vmem>>) attributes {dimension_semantics = [#tpu.dimension_semantics<arbitrary>], iteration_bounds = array<i64: 2>, scalar_prefetch = 0 : i64, scratch_operands = 0 : i64, tpu.core_type = #tpu.core_type<tc>, window_params = [{transform_indices = @transform_0, window_bounds = array<i64: 2, 5056, 8>}, {transform_indices = @transform_1, window_bounds = array<i64: 5056, 16>}, {transform_indices = @transform_2, window_bounds = array<i64: 5056, 16>}, {transform_indices = @transform_3, window_bounds = array<i64: 5056, 1>}]} {
    %get3A = arith.constant 0 : index
    %get3A_0 = arith.constant 0 : index
    %get3A_1 = arith.constant 0 : index
    %get3A_2 = vector.load %arg1[%get3A, %get3A_0, %get3A_1] : memref<2x5056x8xf32, #tpu.memory_space<vmem>>, vector<1x5056x8xf32>
    %get3A_3 = vector.shape_cast %get3A_2 : vector<1x5056x8xf32> to vector<5056x8xf32>
    %get3A_4 = arith.constant 1 : index
    %get3A_5 = arith.constant 0 : index
    %get3A_6 = arith.constant 0 : index
    %get3A_7 = vector.load %arg1[%get3A_4, %get3A_5, %get3A_6] : memref<2x5056x8xf32, #tpu.memory_space<vmem>>, vector<1x5056x8xf32>
    %get3A_8 = vector.shape_cast %get3A_7 : vector<1x5056x8xf32> to vector<5056x8xf32>
    %add3A = arith.addf %get3A_3, %get3A_8 : vector<5056x8xf32>
    %slice3A = vector.extract_strided_slice %add3A {offsets = [0, 0], sizes = [5056, 1], strides = [1, 1]} : vector<5056x8xf32> to vector<5056x1xf32>
    %add3A_9 = arith.constant 1.000000e+00 : f32
    %add3A_10 = vector.broadcast %add3A_9 : f32 to vector<5056x1xf32>
    %add3A_11 = arith.addf %slice3A, %add3A_10 : vector<5056x1xf32>
    %max3A = arith.constant 1.000000e+00 : f32
    %max3A_12 = vector.broadcast %max3A : f32 to vector<5056x1xf32>
    %max3A_13 = arith.maximumf %add3A_11, %max3A_12 : vector<5056x1xf32>
    %rsqrt3A = math.rsqrt %max3A_13 : vector<5056x1xf32>
    %swap3A = arith.constant 0 : index
    %swap3A_14 = arith.constant 0 : index
    %swap3A_15 = vector.load %arg4[%swap3A, %swap3A_14] : memref<5056x1xf32, #tpu.memory_space<vmem>>, vector<5056x1xf32>
    tpu.vector_store %arg4[%swap3A, %swap3A_14], %rsqrt3A {strides = array<i32>} : memref<5056x1xf32, #tpu.memory_space<vmem>>, vector<5056x1xf32>,
    %get3A_16 = arith.constant 0 : index
    %get3A_17 = arith.constant 0 : index
    %get3A_18 = vector.load %arg2[%get3A_16, %get3A_17] : memref<5056x16xf32, #tpu.memory_space<vmem>>, vector<5056x16xf32>
    %mul3A = vector.broadcast %rsqrt3A : vector<5056x1xf32> to vector<5056x16xf32>
    %mul3A_19 = arith.mulf %get3A_18, %mul3A : vector<5056x16xf32>
    %swap3A_20 = arith.constant 0 : index
    %swap3A_21 = arith.constant 0 : index
    %swap3A_22 = vector.load %arg3[%swap3A_20, %swap3A_21] : memref<5056x16xf32, #tpu.memory_space<vmem>>, vector<5056x16xf32>
    tpu.vector_store %arg3[%swap3A_20, %swap3A_21], %mul3A_19 {strides = array<i32>} : memref<5056x16xf32, #tpu.memory_space<vmem>>, vector<5056x16xf32>,
    return
  }
  func.func @transform_0(%arg0: i32) -> (i32, i32, i32) {
    %c0_i32 = arith.constant 0 : i32
    %c0_i32_0 = arith.constant 0 : i32
    %c0_i32_1 = arith.constant 0 : i32
    return %c0_i32, %arg0, %c0_i32_0 : i32, i32, i32
  }
  func.func @transform_1(%arg0: i32) -> (i32, i32) {
    %c0_i32 = arith.constant 0 : i32
    %c0_i32_0 = arith.constant 0 : i32
    return %arg0, %c0_i32 : i32, i32
  }
  func.func @transform_2(%arg0: i32) -> (i32, i32) {
    %c0_i32 = arith.constant 0 : i32
    %c0_i32_0 = arith.constant 0 : i32
    return %arg0, %c0_i32 : i32, i32
  }
  func.func @transform_3(%arg0: i32) -> (i32, i32) {
    %c0_i32 = arith.constant 0 : i32
    %c0_i32_0 = arith.constant 0 : i32
    return %arg0, %c0_i32 : i32, i32
  }
}

module attributes {stable_mosaic.version = 14 : i64} {
  func.func @body(%arg0: i32, %arg1: memref<2x5056x16xf32, #tpu.memory_space<vmem>>, %arg2: memref<5056x16xf32, #tpu.memory_space<vmem>>, %arg3: memref<5056x1xf32, #tpu.memory_space<vmem>>, %arg4: memref<1x16xf32, #tpu.memory_space<vmem>>, %arg5: memref<16x8xf32, #tpu.memory_space<vmem>>, %arg6: memref<5056x8xf32, #tpu.memory_space<vmem>>) attributes {dimension_semantics = [#tpu.dimension_semantics<arbitrary>], iteration_bounds = array<i64: 2>, scalar_prefetch = 0 : i64, scratch_operands = 0 : i64, tpu.core_type = #tpu.core_type<tc>, window_params = [{transform_indices = @transform_0, window_bounds = array<i64: 2, 5056, 16>}, {transform_indices = @transform_1, window_bounds = array<i64: 5056, 16>}, {transform_indices = @transform_2, window_bounds = array<i64: 5056, 1>}, {pipeline_mode = #tpu.pipeline_mode<synchronous>, transform_indices = @transform_3, window_bounds = array<i64: 1, 16>}, {pipeline_mode = #tpu.pipeline_mode<synchronous>, transform_indices = @transform_4, window_bounds = array<i64: 16, 8>}, {transform_indices = @transform_5, window_bounds = array<i64: 5056, 8>}]} {
    %get3A = arith.constant 0 : index
    %get3A_0 = arith.constant 0 : index
    %get3A_1 = arith.constant 0 : index
    %get3A_2 = vector.load %arg1[%get3A, %get3A_0, %get3A_1] : memref<2x5056x16xf32, #tpu.memory_space<vmem>>, vector<1x5056x16xf32>
    %get3A_3 = vector.shape_cast %get3A_2 : vector<1x5056x16xf32> to vector<5056x16xf32>
    %get3A_4 = arith.constant 1 : index
    %get3A_5 = arith.constant 0 : index
    %get3A_6 = arith.constant 0 : index
    %get3A_7 = vector.load %arg1[%get3A_4, %get3A_5, %get3A_6] : memref<2x5056x16xf32, #tpu.memory_space<vmem>>, vector<1x5056x16xf32>
    %get3A_8 = vector.shape_cast %get3A_7 : vector<1x5056x16xf32> to vector<5056x16xf32>
    %add3A = arith.addf %get3A_3, %get3A_8 : vector<5056x16xf32>
    %get3A_9 = arith.constant 0 : index
    %get3A_10 = arith.constant 0 : index
    %get3A_11 = vector.load %arg2[%get3A_9, %get3A_10] : memref<5056x16xf32, #tpu.memory_space<vmem>>, vector<5056x16xf32>
    %add3A_12 = arith.addf %add3A, %get3A_11 : vector<5056x16xf32>
    %get3A_13 = arith.constant 0 : index
    %get3A_14 = arith.constant 0 : index
    %get3A_15 = vector.load %arg3[%get3A_13, %get3A_14] : memref<5056x1xf32, #tpu.memory_space<vmem>>, vector<5056x1xf32>
    %mul3A = vector.broadcast %get3A_15 : vector<5056x1xf32> to vector<5056x16xf32>
    %mul3A_16 = arith.mulf %add3A_12, %mul3A : vector<5056x16xf32>
    %get3A_17 = arith.constant 0 : index
    %get3A_18 = arith.constant 0 : index
    %get3A_19 = vector.load %arg4[%get3A_17, %get3A_18] : memref<1x16xf32, #tpu.memory_space<vmem>>, vector<1x16xf32>
    %add3A_20 = vector.broadcast %get3A_19 : vector<1x16xf32> to vector<5056x16xf32>
    %add3A_21 = arith.addf %mul3A_16, %add3A_20 : vector<5056x16xf32>
    %max3A = arith.constant 0.000000e+00 : f32
    %max3A_22 = vector.broadcast %max3A : f32 to vector<5056x16xf32>
    %max3A_23 = arith.maximumf %add3A_21, %max3A_22 : vector<5056x16xf32>
    %get3A_24 = arith.constant 0 : index
    %get3A_25 = arith.constant 0 : index
    %get3A_26 = vector.load %arg5[%get3A_24, %get3A_25] : memref<16x8xf32, #tpu.memory_space<vmem>>, vector<16x8xf32>
    %dot_general3A = arith.constant dense<0.000000e+00> : vector<5056x8xf32>
    %dot_general3A_27 = tpu.matmul %max3A_23, %get3A_26, %dot_general3A {dimension_numbers = #tpu.dot_dimension_numbers<[1], [0], [0], [1], [0, 0, 1, 1], [], []>, transpose_lhs_hint = false} : vector<5056x16xf32>, vector<16x8xf32>, vector<5056x8xf32> -> vector<5056x8xf32>
    %get3A_28 = arith.constant 0 : index
    %get3A_29 = arith.constant 0 : index
    %get3A_30 = vector.load %arg3[%get3A_28, %get3A_29] : memref<5056x1xf32, #tpu.memory_space<vmem>>, vector<5056x1xf32>
    %mul3A_31 = vector.broadcast %get3A_30 : vector<5056x1xf32> to vector<5056x8xf32>
    %mul3A_32 = arith.mulf %dot_general3A_27, %mul3A_31 : vector<5056x8xf32>
    %swap3A = arith.constant 0 : index
    %swap3A_33 = arith.constant 0 : index
    %swap3A_34 = vector.load %arg6[%swap3A, %swap3A_33] : memref<5056x8xf32, #tpu.memory_space<vmem>>, vector<5056x8xf32>
    tpu.vector_store %arg6[%swap3A, %swap3A_33], %mul3A_32 {strides = array<i32>} : memref<5056x8xf32, #tpu.memory_space<vmem>>, vector<5056x8xf32>,
    return
  }
  func.func @transform_0(%arg0: i32) -> (i32, i32, i32) {
    %c0_i32 = arith.constant 0 : i32
    %c0_i32_0 = arith.constant 0 : i32
    %c0_i32_1 = arith.constant 0 : i32
    return %c0_i32, %arg0, %c0_i32_0 : i32, i32, i32
  }
  func.func @transform_1(%arg0: i32) -> (i32, i32) {
    %c0_i32 = arith.constant 0 : i32
    %c0_i32_0 = arith.constant 0 : i32
    return %arg0, %c0_i32 : i32, i32
  }
  func.func @transform_2(%arg0: i32) -> (i32, i32) {
    %c0_i32 = arith.constant 0 : i32
    %c0_i32_0 = arith.constant 0 : i32
    return %arg0, %c0_i32 : i32, i32
  }
  func.func @transform_3(%arg0: i32) -> (i32, i32) {
    %c0_i32 = arith.constant 0 : i32
    %c0_i32_0 = arith.constant 0 : i32
    %c0_i32_1 = arith.constant 0 : i32
    return %c0_i32, %c0_i32_0 : i32, i32
  }
  func.func @transform_4(%arg0: i32) -> (i32, i32) {
    %c0_i32 = arith.constant 0 : i32
    %c0_i32_0 = arith.constant 0 : i32
    %c0_i32_1 = arith.constant 0 : i32
    return %c0_i32, %c0_i32_0 : i32, i32
  }
  func.func @transform_5(%arg0: i32) -> (i32, i32) {
    %c0_i32 = arith.constant 0 : i32
    %c0_i32_0 = arith.constant 0 : i32
    return %arg0, %c0_i32 : i32, i32
  }
}

module attributes {stable_mosaic.version = 14 : i64} {
  func.func @body(%arg0: i32, %arg1: memref<2x5056x8xf32, #tpu.memory_space<vmem>>, %arg2: memref<5056x8xf32, #tpu.memory_space<vmem>>, %arg3: memref<5056x1xf32, #tpu.memory_space<vmem>>, %arg4: memref<1x8xf32, #tpu.memory_space<vmem>>, %arg5: memref<5056x8xf32, #tpu.memory_space<vmem>>) attributes {dimension_semantics = [#tpu.dimension_semantics<arbitrary>], iteration_bounds = array<i64: 2>, scalar_prefetch = 0 : i64, scratch_operands = 0 : i64, tpu.core_type = #tpu.core_type<tc>, window_params = [{transform_indices = @transform_0, window_bounds = array<i64: 2, 5056, 8>}, {transform_indices = @transform_1, window_bounds = array<i64: 5056, 8>}, {transform_indices = @transform_2, window_bounds = array<i64: 5056, 1>}, {pipeline_mode = #tpu.pipeline_mode<synchronous>, transform_indices = @transform_3, window_bounds = array<i64: 1, 8>}, {transform_indices = @transform_4, window_bounds = array<i64: 5056, 8>}]} {
    %get3A = arith.constant 0 : index
    %get3A_0 = arith.constant 0 : index
    %get3A_1 = arith.constant 0 : index
    %get3A_2 = vector.load %arg1[%get3A, %get3A_0, %get3A_1] : memref<2x5056x8xf32, #tpu.memory_space<vmem>>, vector<1x5056x8xf32>
    %get3A_3 = vector.shape_cast %get3A_2 : vector<1x5056x8xf32> to vector<5056x8xf32>
    %get3A_4 = arith.constant 1 : index
    %get3A_5 = arith.constant 0 : index
    %get3A_6 = arith.constant 0 : index
    %get3A_7 = vector.load %arg1[%get3A_4, %get3A_5, %get3A_6] : memref<2x5056x8xf32, #tpu.memory_space<vmem>>, vector<1x5056x8xf32>
    %get3A_8 = vector.shape_cast %get3A_7 : vector<1x5056x8xf32> to vector<5056x8xf32>
    %add3A = arith.addf %get3A_3, %get3A_8 : vector<5056x8xf32>
    %get3A_9 = arith.constant 0 : index
    %get3A_10 = arith.constant 0 : index
    %get3A_11 = vector.load %arg2[%get3A_9, %get3A_10] : memref<5056x8xf32, #tpu.memory_space<vmem>>, vector<5056x8xf32>
    %add3A_12 = arith.addf %add3A, %get3A_11 : vector<5056x8xf32>
    %get3A_13 = arith.constant 0 : index
    %get3A_14 = arith.constant 0 : index
    %get3A_15 = vector.load %arg3[%get3A_13, %get3A_14] : memref<5056x1xf32, #tpu.memory_space<vmem>>, vector<5056x1xf32>
    %mul3A = vector.broadcast %get3A_15 : vector<5056x1xf32> to vector<5056x8xf32>
    %mul3A_16 = arith.mulf %add3A_12, %mul3A : vector<5056x8xf32>
    %get3A_17 = arith.constant 0 : index
    %get3A_18 = arith.constant 0 : index
    %get3A_19 = vector.load %arg4[%get3A_17, %get3A_18] : memref<1x8xf32, #tpu.memory_space<vmem>>, vector<1x8xf32>
    %add3A_20 = vector.broadcast %get3A_19 : vector<1x8xf32> to vector<5056x8xf32>
    %add3A_21 = arith.addf %mul3A_16, %add3A_20 : vector<5056x8xf32>
    %iota3A = tpu.iota {dimensions = array<i32: 1>} : vector<5056x8xi32>
    %lt3A = arith.constant 7 : i32
    %lt3A_22 = vector.broadcast %lt3A : i32 to vector<5056x8xi32>
    %lt3A_23 = arith.cmpi slt, %iota3A, %lt3A_22 : vector<5056x8xi32>
    %jit3A = arith.constant 0xFF800000 : f32
    %broadcast_in_dim3A = vector.broadcast %jit3A : f32 to vector<5056x8xf32>
    %select_n3A = arith.select %lt3A_23, %add3A_21, %broadcast_in_dim3A : vector<5056x8xi1>, vector<5056x8xf32>
    %reduce_max3A = arith.constant dense<0xFF800000> : vector<5056xf32>
    %reduce_max3A_24 = vector.multi_reduction <maximumf>, %select_n3A, %reduce_max3A [1] : vector<5056x8xf32> to vector<5056xf32>
    %broadcast_in_dim3A_25 = vector.shape_cast %reduce_max3A_24 : vector<5056xf32> to vector<5056x1xf32>
    %sub3A = vector.broadcast %broadcast_in_dim3A_25 : vector<5056x1xf32> to vector<5056x8xf32>
    %sub3A_26 = arith.subf %select_n3A, %sub3A : vector<5056x8xf32>
    %exp3A = math.exp %sub3A_26 : vector<5056x8xf32>
    %reduce_sum3A = arith.constant dense<0.000000e+00> : vector<5056xf32>
    %reduce_sum3A_27 = vector.multi_reduction <add>, %exp3A, %reduce_sum3A [1] : vector<5056x8xf32> to vector<5056xf32>
    %broadcast_in_dim3A_28 = vector.shape_cast %reduce_sum3A_27 : vector<5056xf32> to vector<5056x1xf32>
    %log3A = math.log %broadcast_in_dim3A_28 : vector<5056x1xf32>
    %sub3A_29 = vector.broadcast %log3A : vector<5056x1xf32> to vector<5056x8xf32>
    %sub3A_30 = arith.subf %sub3A_26, %sub3A_29 : vector<5056x8xf32>
    %swap3A = arith.constant 0 : index
    %swap3A_31 = arith.constant 0 : index
    %swap3A_32 = vector.load %arg5[%swap3A, %swap3A_31] : memref<5056x8xf32, #tpu.memory_space<vmem>>, vector<5056x8xf32>
    tpu.vector_store %arg5[%swap3A, %swap3A_31], %sub3A_30 {strides = array<i32>} : memref<5056x8xf32, #tpu.memory_space<vmem>>, vector<5056x8xf32>,
    return
  }
  func.func @transform_0(%arg0: i32) -> (i32, i32, i32) {
    %c0_i32 = arith.constant 0 : i32
    %c0_i32_0 = arith.constant 0 : i32
    %c0_i32_1 = arith.constant 0 : i32
    return %c0_i32, %arg0, %c0_i32_0 : i32, i32, i32
  }
  func.func @transform_1(%arg0: i32) -> (i32, i32) {
    %c0_i32 = arith.constant 0 : i32
    %c0_i32_0 = arith.constant 0 : i32
    return %arg0, %c0_i32 : i32, i32
  }
  func.func @transform_2(%arg0: i32) -> (i32, i32) {
    %c0_i32 = arith.constant 0 : i32
    %c0_i32_0 = arith.constant 0 : i32
    return %arg0, %c0_i32 : i32, i32
  }
  func.func @transform_3(%arg0: i32) -> (i32, i32) {
    %c0_i32 = arith.constant 0 : i32
    %c0_i32_0 = arith.constant 0 : i32
    %c0_i32_1 = arith.constant 0 : i32
    return %c0_i32, %c0_i32_0 : i32, i32
  }
  func.func @transform_4(%arg0: i32) -> (i32, i32) {
    %c0_i32 = arith.constant 0 : i32
    %c0_i32_0 = arith.constant 0 : i32
    return %arg0, %c0_i32 : i32, i32
  }
}

</mosaic_0001>

<sc_bundles>
// kernel: kernel.12.cloned.1.call-start
scs
__scs_entry_jumppad:
0x0: {  	(pc) =	sbr.rel $0x88, $3  }
0x1: {  	(tag) =	ssettag $0x0;
	lr =	simm.s32 $0x1  }
0x2: {  	[smem:$0x3F9B] =	sst lr;
	_ =	strace $0xD0000000  }
0x3: {  	_ = 	snop  }
0x4: {  	_ = 	snop  }
0x5: {  	_ = 	snop  }
0x6: {  	_ = 	snop  }
0x7: {  	_ = 	snop  }
__scs_overlays_trampoline_lowered:
0x8: {  	[smem:$0x3FAA] =	sst s0  }
0x9: {  	[smem:$0x3FAB] =	sst s1  }
0xa: {  	[smem:$0x3FAC] =	sst s2  }
0xb: {  	[smem:$0x3FAD] =	sst s3  }
0xc: {  	[smem:$0x3FAE] =	sst s4  }
0xd: {  	[smem:$0x3FAF] =	sst s5  }
0xe: {  	[smem:$0x3FB0] =	sst s6  }
0xf: {  	[smem:$0x3FB1] =	sst s7  }
0x10: {  	[smem:$0x3FB2] =	sst s8  }
0x11: {  	[smem:$0x3FB3] =	sst s9;
	s0 =	simm.s32 @!p0 $0x0  }
0x12: {  	s1 =	sld [smem:$0x3F99];
	s0 =	simm.s32 @p0 $0x1  }
0x13: {  	[smem:$0x3FB4] =	sst s0;
	s0 =	simm.s32 @!p1 $0x0  }
0x14: {  	s2 =	sld [smem:$0x3F98];
	s0 =	simm.s32 @p1 $0x1  }
0x15: {  	[smem:$0x3FB5] =	sst s0;
	s0 =	simm.s32 @!p2 $0x0  }
0x16: {  	s3 =	sld [smem:$0x3FDB];
	s0 =	simm.s32 @p2 $0x1  }
0x17: {  	s4 =	simm.s32 $0x1BF5;
	[smem:$0x3FB7] =	sst s0  }
0x18: {  	s0 =	sld [smem:$0x3F9A];
	_ =	swait.ge [sflag:s4], $0x0  }
0x19: {  	s7 =	sld [smem:$0x3F9B]  }
0x1a: {  	s8 =	sadd.s32 $0xFFFFE003, lr  }
0x1b: {  	s9 =	sadd.s32 $0xFFFFFEF7, lr;
	s5 =	simm.s32 $0xFFFFFFFF;
	p2 =	slt.u32 s8, $0xFFFFF086  }
0x1c: {  	p1 =	slt.u32 s9, $0xF7A;
	s5 =	simm.s32 @!p2 $0x0  }
0x1d: {  	s5 =	simm.s32 @p1 $0x1;
	p0 =	seq.s32 s7, s2  }
0x1e: {  	s7 =	smul.u32 @!p0 $0xF7A, s2;
	p2 =	seq.s32 @!p0 s5, $0x0  }
0x1f: {  	s9 =	smul.u32 $0xF7A, s1;
	s8 =	simm.s32 @!p0 $0x1BF5;
	p2 =	por !p2, p0  }
0x20: {  	[sflag:s8] =	ssyncset.s32 @!p0 $0xFFFFF086;
	s6 =	sadd.s32 @!p0 s3, s7;
	s7 =	simm.s32 @!p0 $0x108  }
0x21: {  	s3 =	sadd.s32 s3, s9;
	s6 =	sadd.s32 @!p0 $0x88, s6;
	s7 =	simm.s32 @p2 $0x1082  }
0x22: {  	[simem:s7], [sflag:s8] =	dma.local @!p0 [hbm:s6], $0xF7A  }
0x23: {  	s9 =	sor.u32 $0xD0000000, s2;
	s6 =	simm.s32 $0x108;
	_ =	swait.ge @!p0 [sflag:s8], $0x0  }
0x24: {  	s3 =	sadd.s32 $0x88, s3;
	s6 =	simm.s32 @!p1 $0x1082;
	[sflag:s4] =	ssyncset.s32 $0xFFFFF086  }
0x25: {  	[simem:s6], [sflag:s4] =	dma.local [hbm:s3], $0xF7A  }
0x26: {  	[smem:$0x3F9B] =	sst s1;
	(tag) =	ssettag s2;
	_ =	strace s9  }
0x27: {  	s1 =	sld [smem:$0x3FAB]  }
0x28: {  	s2 =	sld [smem:$0x3FAC]  }
0x29: {  	s4 =	sld [smem:$0x3FAE]  }
0x2a: {  	p0 =	seq.s32 s5, $0x0;
	s5 =	sld [smem:$0x3FAF]  }
0x2b: {  	s6 =	sld [smem:$0x3FB0]  }
0x2c: {  	s7 =	sld [smem:$0x3FB1]  }
0x2d: {  	s3 =	simm.s32 $0x108;
	s8 =	sld [smem:$0x3FB2]  }
0x2e: {  	s3 =	simm.s32 @!p0 $0x1082;
	s9 =	sld [smem:$0x3FB3]  }
0x2f: {  	lr =	sadd.s32 s0, s3;
	s0 =	sld [smem:$0x3FAA]  }
0x30: {  	s3 =	sld [smem:$0x3FAD]  }
0x31: {  	[smem:$0x3FB6] =	sst s10  }
0x32: {  	s10 =	sld [smem:$0x3FB4];
	_ =	sdelay $0x3  }
0x33: {  	p0 =	seq.s32 s10, $0x1;
	s10 =	sld [smem:$0x3FB6];
	_ =	sdelay $0x3  }
0x34: {  	[smem:$0x3FB6] =	sst s10  }
0x35: {  	s10 =	sld [smem:$0x3FB5];
	_ =	sdelay $0x3  }
0x36: {  	p1 =	seq.s32 s10, $0x1;
	s10 =	sld [smem:$0x3FB6];
	_ =	sdelay $0x3  }
0x37: {  	[smem:$0x3FB6] =	sst s10  }
0x38: {  	s10 =	sld [smem:$0x3FB7]  }
0x39: {  	_ = 	snop;
	(pc) =	sbr.ind lr, $3  }
0x3a: {  	_ = 	snop  }
0x3b: {  	_ = 	snop  }
0x3c: {  	p2 =	seq.s32 s10, $0x1;
	s10 =	sld [smem:$0x3FB6]  }
0x3d: {  	_ =	shalt  }
0x3e: {  	_ =	shalt  }
0x3f: {  	_ =	shalt  }
0x40: {  	_ =	shalt  }
0x41: {  	_ =	shalt  }
0x42: {  	_ =	shalt  }
0x43: {  	_ =	shalt  }
0x44: {  	_ =	shalt  }
0x45: {  	_ =	shalt  }
0x46: {  	_ =	shalt  }
0x47: {  	_ =	shalt  }
0x48: {  	_ =	shalt  }
0x49: {  	_ =	shalt  }
0x4a: {  	_ =	shalt  }
0x4b: {  	_ =	shalt  }
0x4c: {  	_ =	shalt  }
0x4d: {  	_ =	shalt  }
0x4e: {  	_ =	shalt  }
0x4f: {  	_ =	shalt  }
0x50: {  	_ =	shalt  }
0x51: {  	_ =	shalt  }
0x52: {  	_ =	shalt  }
0x53: {  	_ =	shalt  }
0x54: {  	_ =	shalt  }
0x55: {  	_ =	shalt  }
0x56: {  	_ =	shalt  }
0x57: {  	_ =	shalt  }
0x58: {  	_ =	shalt  }
0x59: {  	_ =	shalt  }
0x5a: {  	_ =	shalt  }
0x5b: {  	_ =	shalt  }
0x5c: {  	_ =	shalt  }
0x5d: {  	_ =	shalt  }
0x5e: {  	_ =	shalt  }
0x5f: {  	_ =	shalt  }
0x60: {  	_ =	shalt  }
0x61: {  	_ =	shalt  }
0x62: {  	_ =	shalt  }
0x63: {  	_ =	shalt  }
0x64: {  	_ =	shalt  }
0x65: {  	_ =	shalt  }
0x66: {  	_ =	shalt  }
0x67: {  	_ =	shalt  }
0x68: {  	_ =	shalt  }
0x69: {  	_ =	shalt  }
0x6a: {  	_ =	shalt  }
0x6b: {  	_ =	shalt  }
0x6c: {  	_ =	shalt  }
0x6d: {  	_ =	shalt  }
0x6e: {  	_ =	shalt  }
0x6f: {  	_ =	shalt  }
0x70: {  	_ =	shalt  }
0x71: {  	_ =	shalt  }
0x72: {  	_ =	shalt  }
0x73: {  	_ =	shalt  }
0x74: {  	_ =	shalt  }
0x75: {  	_ =	shalt  }
0x76: {  	_ =	shalt  }
0x77: {  	_ =	shalt  }
0x78: {  	_ =	shalt  }
0x79: {  	_ =	shalt  }
0x7a: {  	_ =	shalt  }
0x7b: {  	_ =	shalt  }
0x7c: {  	_ =	shalt  }
0x7d: {  	_ =	shalt  }
0x7e: {  	_ =	shalt  }
0x7f: {  	_ =	shalt  }
0x80: {  	_ =	shalt  }
0x81: {  	_ =	shalt  }
0x82: {  	_ =	shalt  }
0x83: {  	_ =	shalt  }
0x84: {  	_ =	shalt  }
0x85: {  	_ =	shalt  }
0x86: {  	_ =	shalt  }
0x87: {  	_ =	shalt  }
.Lfunc_end0:
.L_simem_size_0:
called_computation.1_lowered:
.L_overlay_start_0:
0x88: {  	s2 =	sld [smem:$0x3FD9]  }
0x89: {  	s3 =	sld [smem:$0x3FFE];
	_ =	sdelay $0x1  }
0x8a: {  	s1 =	srdreg.scid  }
0x8b: {  	s0 =	sand.u32 $0x1, s1  }
0x8c: {  	s17 =	sshll.u32 s0, $0xA;
	s2 =	sadd.s32 s3, s2  }
0x8d: {  	s2 =	sadd.s32 s2, s17  }
0x8e: {  	[smem:$0x3FC2] =	sst s2  }
0x8f: {  	_ = 	snop  }
0x90: {  	s2 =	sld [smem:$0x3FC8];
	(tm) =	ssettm $0x1  }
0x91: {  	s18 =	sld [smem:$0x3FFB];
	_ =	sdelay $0x3  }
0x92: {  	_ =	strace s18  }
0x93: {  	s3 =	sld [smem:$0x3FFC];
	_ =	sdelay $0x3  }
0x94: {  	_ =	strace s3  }
0x95: {  	s3 =	sld [smem:$0x3FFD];
	_ =	sdelay $0x3  }
0x96: {  	_ =	strace s3  }
0x97: {  	_ =	strace $0x8FFFFFFF  }
0x98: {  	s19 =	sld [smem:$0x3FDB];
	_ =	sdelay $0x1  }
0x99: {  	s4 =	simm.s32 $_scs_section_size  }
0x9a: {  	s5 =	simm.s32 $_size__tile_overlayer_lowered;
	s6 =	simm.s32 $_tile_overlayer_lowered  }
0x9b: {  	s22 =	simm.s32 $0x1BFF;
	s21 =	sshll.u32 s6, $0x1;
	s3 =	sadd.s32 s4, s19  }
0x9c: {  	s7 =	simm.s32 $0x0;
	s20 =	sshll.u32 s5, $0x1;
	s5 =	sadd.s32 s21, s3  }
0x9d: {  	[timem:s7], [sflag:s22] =	dma.local [hbm:s5], s20  }
0x9e: {  	_ =	swait.ge [sflag:s22], s20  }
0x9f: {  	s4 =	ssub.s32 $0x0, s20;
	[sflag:s22] =	ssyncset.done $0x0  }
0xa0: {  	[sflag:s22] =	ssyncadd.s32 s4;
	_ =	sdelay $0x1  }
0xa1: {  	s23 =	simm.s32 $0x1B8B  }
0xa2: {  	_ =	swait.ge [sflag:s23], $0x1  }
0xa3: {  	[sflag:s23] =	ssyncset.done $0x0  }
0xa4: {  	s25 =	simm.s32 $0x1B8E;
	s24 =	sld [smem:$0x3FFE];
	[sflag:s23] =	ssyncadd.s32 $0xFFFFFFFF  }
0xa5: {  	s26 =	simm.s32 $execute0_lowered;
	[smem:$0x3FD2] =	sst s25  }
0xa6: {  	s5 =	sshll.u32 s26, $0x1;
	_ =	strace $0x80000049;
	[dreg:$0x1] =	wrdreg $0xFFFFFFFF  }
0xa7: {  	s28 =	simm.s32 $_size_execute0_lowered;
	s3 =	sadd.s32 s3, s5;
	[dreg:$0x0] =	wrdreg $0x0  }
0xa8: {  	s5 =	sshll.u32 s28, $0x1;
	[dreg:$0x2] =	wrdreg s3  }
0xa9: {  	[dreg:$0x3] =	wrdreg s5  }
0xaa: {  	[dreg:$0x4] =	wrdreg $0xC0  }
0xab: {  	_ =	task [dreg:s7], $0x5FFFF  }
0xac: {  	[dreg:$0x1] =	wrdreg $0xFFFFFFFF  }
0xad: {  	[dreg:$0x0] =	wrdreg $0x60  }
0xae: {  	[dreg:$0x2] =	wrdreg s24  }
0xaf: {  	[dreg:$0x3] =	wrdreg s2  }
0xb0: {  	[dreg:$0x4] =	wrdreg $0x0  }
0xb1: {  	[dreg:$0x5] =	wrdreg $0x27800  }
0xb2: {  	[dreg:$0x6] =	wrdreg $0x9  }
0xb3: {  	_ =	task.clear_ibuf [dreg:s7], $0x7FFFF;
	_ =	strace $0x90000049  }
0xb4: {  	s29 =	simm.s32 $0x9;
	_ =	strace $0x8000004B  }
0xb5: {  	_ =	swait.ge [sflag:s29], $0x1  }
0xb6: {  	[sflag:s29] =	ssyncadd.s32 $0xFFFFFFFF  }
0xb7: {  	_ =	strace $0x9000004B  }
0xb8: {  	_ =	sfence  }
0xb9: {  	s30 =	sld [smem:$0x0];
	_ =	sdelay $0x2  }
0xba: {  	s31 =	sshll.u32 s1, $0xD;
	s1 =	sshrl.u32 s1, $0x2  }
0xbb: {  	s3 =	sand.u32 $0x4000, s31;
	s1 =	sadd.s32 s1, s30  }
0xbc: {  	s0 =	sor.u32 s3, s0;
	s1 =	sshll.u32 s1, $0x11  }
0xbd: {  	s0 =	sor.u32 s1, s0  }
0xbe: {  	s0 =	sadd.s32 $0x8F2B, s0  }
0xbf: {  	[sflag:s0] =	ssyncadd.remote.s32 $0x1  }
0xc0: {  	_ =	sfence.sel $0xFFFF  }
0xc1: {  	[dreg:$0x0] =	wrdreg $0xFFFFFFFF;
	(pc) =	sbr.abs _section_cstart, $3  }
0xc2: {  	[dreg:$0x1] =	wrdreg $0xFFFFFFFF  }
0xc3: {  	_ =	task.clear_ibuf [dreg:s7], $0x2FFFF;
	_ =	strace $0x9FFFFFFF  }
0xc4: {  	(tm) =	ssettm $0x7FFFFFFF  }
0xc5: {  	_ =	shalt  }
tec
execute0_lowered:
.L_overlay_start_1:
0x0: {  	(tag) =	ssettag $0x1  }
0x1: {  	s6 =	rddreg [dreg:$0x0]  }
0x2: {  	s10 =	rddreg [dreg:$0x1]  }
0x3: {  	s2 =	rddreg [dreg:$0x2]  }
0x4: {  	s3 =	rddreg [dreg:$0x3]  }
0x5: {  	s0 =	stileid.u32;
	s5 =	srdreg.scid  }
0x6: {  	s1 =	rddreg [dreg:$0x4];
	s4 =	simm.s32 $0x0;
	s17 =	simm.s32 $0x4F00  }
0x7: {  	s18 =	simm.s32 $0xA300;
	s19 =	simm.s32 $0xAB00;
	s20 =	simm.s32 $0x1  }
0x8: {  	s21 =	simm.s32 $0x2;
	s8 =	smul.u32 $0x2780, s0;
	s7 =	sand.u32 $0x1, s5  }
0x9: {  	[smem:$0x7FF] =	sst s4;
	s5 =	sadd.s32 $0x1E00, s6;
	s30 =	sshll.u32 s0, $0x6  }
0xa: {  	s9 =	smul.u32 $0x27800, s7;
	_ =	strace $0x8000004A;
	s12 =	ssub.s32 $0x2, s7  }
0xb: {  	s7 =	sshll.u32 s7, $0x4;
	s28 =	sshrl.u32 s8, $0x3;
	s13 =	sshrl.u32 s12, $0x1  }
0xc: {  	s29 =	sor.u32 s0, s7;
	s15 =	sadd.s32 s8, s2;
	s7 =	sor.u32 $0x1C03, s30  }
0xd: {  	s16 =	sadd.s32 s8, s3;
	s11 =	sadd.s32 s28, s6;
	s9 =	sadd.s32 s8, s9  }
0xe: {  	s12 =	ssub.s32 s12, s13;
	s31 =	smul.u32 $0xA00, s29;
	p0 =	seq.s32 s29, $0x1F  }
0xf: {  	s13 =	sshrl.u32 s15, $0x3;
	s15 =	sshrl.u32 s16, $0x3;
	s16 =	simm.s32 $0x80  }
0x10: {  	s9 =	sshrl.u32 s9, $0x3;
	s8 =	sadd.s32 $0x2600, s11;
	s12 =	smax.u32 s12, $0x1  }
0x11: {  	s14 =	sadd.s32 s9, s6;
	s6 =	sadd.s32 $0x7600, s11;
	s9 =	sadd.s32 s10, s31  }
0x12: {  	s10 =	sadd.s32 $0x13600, s10;
	s11 =	sadd.s32 $0xC600, s14;
	s14 =	simm.s32 $0x3  }
.LBB2_1:
0x13: {  	[spmem:s13], [sflag:s7] =	dma.local [hbm:s6], $0x4F0  }
0x14: {  	_ =	swait.ge [sflag:s14], $0x4F0  }
0x15: {  	[sflag:s14] =	ssyncset.done $0x0  }
0x16: {  	[sflag:s14] =	ssyncadd.s32 $0xFFFFFB10  }
0x17: {  	[spmem:s15], [sflag:s7] =	dma.local [hbm:s8], $0x4F0  }
0x18: {  	_ =	swait.ge [sflag:s14], $0x4F0  }
0x19: {  	[sflag:s14] =	ssyncset.done $0x0  }
0x1a: {  	s22 =	simm.s32 @p0 $0x0;
	s23 =	simm.s32 @p0 $0x4F00;
	[sflag:s14] =	ssyncadd.s32 $0xFFFFFB10  }
0x1b: {  	[tilespmem:s23], [sflag:$0x3] =	stream.linear.gather @p0 [hbm4b:s10+s22], $0x1400, $0x38;
	[tilespmem:$0xB300] =	vst v63  }
0x1c: {  	s23 =	simm.s32 @p0 $0x3  }
0x1d: {  	_ =	swait.ge @p0 [sflag:s23], $0x1400  }
0x1e: {  	[sflag:s23] =	ssyncset.done @p0 $0x0  }
0x1f: {  	s24 =	simm.s32 @p0 $0x6300;
	[sflag:s23] =	ssyncadd.s32 @p0 $0xFFFFEC00  }
0x20: {  	[tilespmem:s24], [sflag:$0x3] =	stream.linear.gather @p0 [hbm4b:s5+s22], $0x4000, $0x38;
	[tilespmem:$0xB300] =	vst v63  }
0x21: {  	_ =	swait.ge @p0 [sflag:s23], $0x4000  }
0x22: {  	[sflag:s23] =	ssyncset.done @p0 $0x0  }
0x23: {  	s22 =	simm.s32 @!p0 $0x0;
	[sflag:s23] =	ssyncadd.s32 @p0 $0xFFFFC000;
	s23 =	simm.s32 @!p0 $0x4F00  }
0x24: {  	[tilespmem:s23], [sflag:$0x3] =	stream.linear.gather @!p0 [hbm4b:s9+s22], $0x5000, $0x38;
	[tilespmem:$0xB300] =	vst v63  }
0x25: {  	s23 =	simm.s32 @!p0 $0x3  }
0x26: {  	_ =	swait.ge @!p0 [sflag:s23], $0x5000  }
0x27: {  	[sflag:s23] =	ssyncset.done @!p0 $0x0  }
0x28: {  	s24 =	simm.s32 @!p0 $0x9F00;
	[sflag:s23] =	ssyncadd.s32 @!p0 $0xFFFFB000  }
0x29: {  	[tilespmem:s24], [sflag:$0x3] =	stream.linear.gather @!p0 [hbm4b:s5+s22], $0x400, $0x38;
	[tilespmem:$0xB300] =	vst v63  }
0x2a: {  	_ =	swait.ge @!p0 [sflag:s23], $0x400  }
0x2b: {  	[sflag:s23] =	ssyncset.done @!p0 $0x0  }
0x2c: {  	[sflag:s23] =	ssyncadd.s32 @!p0 $0xFFFFFC00  }
0x2d: {  	[bflag:$0x0] =	sbarrier.arrive $0xFFFF  }
0x2e: {  	[tilespmem:s18], [sflag:$0x1] =	stream.indirect.gather [spmem:s3], $0x10, s17, s16, $0xb8;
	[tilespmem:$0xB300] =	vst v63  }
0x2f: {  	s28 =	simm.s32 $0x5000  }
0x30: {  	[tilespmem:s19], [sflag:$0x2] =	stream.indirect.gather [spmem:s3], $0x10, s28, s16, $0xb8;
	[tilespmem:$0xB300] =	vst v63  }
0x31: {  	_ =	swait.ge [sflag:s20], $0x800  }
0x32: {  	[sflag:s20] =	ssyncset.done $0x0  }
0x33: {  	s29 =	simm.s32 $0x4F80;
	[sflag:s20] =	ssyncadd.s32 $0xFFFFF800  }
0x34: {  	[spmem:s2] =	stream.indirect.scatter.add.f32 [tilespmem:s18], [sflag:$0x3], $0x10, s29, s16, $0xb8;
	[tilespmem:$0xB300] =	vst v63  }
0x35: {  	_ =	swait.ge [sflag:s14], $0x800  }
0x36: {  	[sflag:s14] =	ssyncset.done $0x0  }
0x37: {  	s30 =	simm.s32 $0x5100;
	[sflag:s14] =	ssyncadd.s32 $0xFFFFF800  }
0x38: {  	[tilespmem:s18], [sflag:$0x1] =	stream.indirect.gather [spmem:s3], $0x10, s30, s16, $0xb8;
	[tilespmem:$0xB300] =	vst v63  }
0x39: {  	_ =	swait.ge [sflag:s21], $0x800  }
0x3a: {  	[sflag:s21] =	ssyncset.done $0x0  }
0x3b: {  	s31 =	simm.s32 $0x5080;
	[sflag:s21] =	ssyncadd.s32 $0xFFFFF800  }
0x3c: {  	[spmem:s2] =	stream.indirect.scatter.add.f32 [tilespmem:s19], [sflag:$0x3], $0x10, s31, s16, $0xb8;
	[tilespmem:$0xB300] =	vst v63  }
0x3d: {  	_ =	swait.ge [sflag:s14], $0x800  }
0x3e: {  	s22 =	simm.s32 $0xFFFFB200;
	s23 =	simm.s32 $0xFFFED000;
	[sflag:s14] =	ssyncset.done $0x0  }
.LBB2_2:
0x3f: {  	s24 =	sadd.s32 $0xA000, s22  }
0x40: {  	[sflag:s14] =	ssyncadd.s32 $0xFFFFF800;
	s25 =	smov.u32 s23;
	s26 =	sadd.s32 $0x800, s23  }
0x41: {  	[tilespmem:s19], [sflag:$0x2] =	stream.indirect.gather [spmem:s3], $0x10, s24, s16, $0xb8;
	[tilespmem:$0xB300] =	vst v63  }
0x42: {  	p1 =	sne.s32 s23, $0xFFFFF800;
	_ =	swait.ge [sflag:s20], $0x800  }
0x43: {  	[sflag:s20] =	ssyncset.done $0x0  }
0x44: {  	s23 =	sadd.s32 $0x9F80, s22;
	[sflag:s20] =	ssyncadd.s32 $0xFFFFF800  }
0x45: {  	[spmem:s2] =	stream.indirect.scatter.add.f32 [tilespmem:s18], [sflag:$0x3], $0x10, s23, s16, $0xb8;
	[tilespmem:$0xB300] =	vst v63  }
0x46: {  	_ =	swait.ge [sflag:s14], $0x800  }
0x47: {  	[sflag:s14] =	ssyncset.done $0x0  }
0x48: {  	s23 =	sadd.s32 $0xA100, s22;
	[sflag:s14] =	ssyncadd.s32 $0xFFFFF800  }
0x49: {  	[tilespmem:s18], [sflag:$0x1] =	stream.indirect.gather [spmem:s3], $0x10, s23, s16, $0xb8;
	[tilespmem:$0xB300] =	vst v63  }
0x4a: {  	_ =	swait.ge [sflag:s21], $0x800  }
.Ltmp0:
0x4b: {  	[sflag:s21] =	ssyncset.done $0x0;
	(pc) =	sbr.rel @p1 .LBB2_2-.Ltmp0, $4  }
0x4c: {  	s22 =	sadd.s32 $0xA080, s22;
	[sflag:s21] =	ssyncadd.s32 $0xFFFFF800  }
0x4d: {  	[spmem:s2] =	stream.indirect.scatter.add.f32 [tilespmem:s19], [sflag:$0x3], $0x10, s22, s16, $0xb8;
	[tilespmem:$0xB300] =	vst v63  }
0x4e: {  	_ =	swait.ge [sflag:s14], $0x800  }
0x4f: {  	s23 =	smov.u32 s26;
	s22 =	sshra.s32 s25, $0x2;
	[sflag:s14] =	ssyncset.done $0x0  }
0x50: {  	s23 =	sadd.s32 $0xA000, s22;
	[sflag:s14] =	ssyncadd.s32 $0xFFFFF800  }
0x51: {  	[tilespmem:s19], [sflag:$0x2] =	stream.indirect.gather [spmem:s3], $0x10, s23, s16, $0xb8;
	[tilespmem:$0xB300] =	vst v63  }
0x52: {  	_ =	swait.ge [sflag:s20], $0x800  }
0x53: {  	[sflag:s20] =	ssyncset.done $0x0  }
0x54: {  	s29 =	sadd.s32 $0x9F80, s22;
	[sflag:s20] =	ssyncadd.s32 $0xFFFFF800  }
0x55: {  	[spmem:s2] =	stream.indirect.scatter.add.f32 [tilespmem:s18], [sflag:$0x3], $0x10, s29, s16, $0xb8;
	[tilespmem:$0xB300] =	vst v63  }
0x56: {  	_ =	swait.ge [sflag:s14], $0x800  }
0x57: {  	[sflag:s14] =	ssyncset.done $0x0  }
0x58: {  	s30 =	sadd.s32 $0xA100, s22;
	[sflag:s14] =	ssyncadd.s32 $0xFFFFF800  }
0x59: {  	[tilespmem:s18], [sflag:$0x1] =	stream.indirect.gather [spmem:s3], $0x10, s30, s16, $0xb8;
	[tilespmem:$0xB300] =	vst v63  }
0x5a: {  	_ =	swait.ge [sflag:s21], $0x800  }
0x5b: {  	[sflag:s21] =	ssyncset.done $0x0  }
0x5c: {  	s31 =	sadd.s32 $0xA080, s22;
	[sflag:s21] =	ssyncadd.s32 $0xFFFFF800  }
0x5d: {  	[spmem:s2] =	stream.indirect.scatter.add.f32 [tilespmem:s19], [sflag:$0x3], $0x10, s31, s16, $0xb8;
	[tilespmem:$0xB300] =	vst v63  }
0x5e: {  	_ =	swait.ge [sflag:s14], $0x800  }
0x5f: {  	[sflag:s14] =	ssyncset.done $0x0  }
0x60: {  	[sflag:s14] =	ssyncadd.s32 $0xFFFFF800  }
0x61: {  	_ =	swait.ge [sflag:s20], $0x800  }
0x62: {  	s4 =	sadd.s32 $0x1, s4;
	[sflag:s20] =	ssyncset.done $0x0  }
0x63: {  	p1 =	sne.s32 s4, s12;
	[sflag:s20] =	ssyncadd.s32 $0xFFFFF800  }
.Ltmp1:
0x64: {  	[bflag:$0x0] =	sbarrier.arrive $0xFFFF;
	(pc) =	sbr.rel @p1 .LBB2_1-.Ltmp1, $4  }
0x65: {  	[hbm:s11], [sflag:s7] =	dma.local [spmem:s13], $0x4F0  }
0x66: {  	_ =	swait.ge [sflag:s14], $0x4F0  }
0x67: {  	[sflag:s14] =	ssyncset.done $0x0  }
0x68: {  	[sflag:s14] =	ssyncadd.s32 $0xFFFFFB10  }
0x69: {  	_ =	sfence.sel $0x180000  }
0x6a: {  	[bflag:$0x0] =	sbarrier.arrive $0xFFFF  }
0x6b: {  	p0 =	sne.s32 s0, $0x0;
	_ =	strace $0x9000004A  }
0x6c: {  	s0 =	sadd.s32 @!p0 $0x100000, s1;
	[bflag:$0x2] =	sbarrier.arrive $0xFFFF  }
0x6d: {  	[sflag:s0] =	ssyncadd.tile.s32 @!p0 $0x1;
	_ =	shalt  }
.Lfunc_end2:
_tile_overlayer_lowered:
.L_overlay_start_2:
0x6e: {  	(tag) =	ssettag $0x2  }
0x6f: {  	s0 =	rddreg [dreg:$0x0];
	s2 =	stileid.u32  }
0x70: {  	s1 =	rddreg [dreg:$0x1];
	p0 =	sne.s32 s2, $0x0  }
0x71: {  	s3 =	rddreg [dreg:$0x2];
	[bflag:$0x3] =	sbarrier.arrive $0xFFFF;
	s2 =	simm.s32 @!p0 $0x1C03  }
0x72: {  	[timem:s3], [sflag:s2] =	dma.local @!p0 [hbm:s0], s1  }
0x73: {  	s0 =	simm.s32 @!p0 $0x3  }
0x74: {  	_ =	swait.ge @!p0 [sflag:s0], s1  }
0x75: {  	s1 =	ssub.s32 @!p0 $0x0, s1;
	[sflag:s0] =	ssyncset.done @!p0 $0x0  }
0x76: {  	[sflag:s0] =	ssyncadd.s32 @!p0 s1  }
0x77: {  	[bflag:$0x3] =	sbarrier.arrive $0xFFFF  }
0x78: {  	_ =	shalt  }

// kernel: kernel.15.cloned.1.call-start
scs
__scs_entry_jumppad:
0x0: {  	(pc) =	sbr.rel $0x88, $3  }
0x1: {  	(tag) =	ssettag $0x0;
	lr =	simm.s32 $0x1  }
0x2: {  	[smem:$0x3F9B] =	sst lr;
	_ =	strace $0xD0000000  }
0x3: {  	_ = 	snop  }
0x4: {  	_ = 	snop  }
0x5: {  	_ = 	snop  }
0x6: {  	_ = 	snop  }
0x7: {  	_ = 	snop  }
__scs_overlays_trampoline_lowered:
0x8: {  	[smem:$0x3FAA] =	sst s0  }
0x9: {  	[smem:$0x3FAB] =	sst s1  }
0xa: {  	[smem:$0x3FAC] =	sst s2  }
0xb: {  	[smem:$0x3FAD] =	sst s3  }
0xc: {  	[smem:$0x3FAE] =	sst s4  }
0xd: {  	[smem:$0x3FAF] =	sst s5  }
0xe: {  	[smem:$0x3FB0] =	sst s6  }
0xf: {  	[smem:$0x3FB1] =	sst s7  }
0x10: {  	[smem:$0x3FB2] =	sst s8  }
0x11: {  	[smem:$0x3FB3] =	sst s9;
	s0 =	simm.s32 @!p0 $0x0  }
0x12: {  	s1 =	sld [smem:$0x3F99];
	s0 =	simm.s32 @p0 $0x1  }
0x13: {  	[smem:$0x3FB4] =	sst s0;
	s0 =	simm.s32 @!p1 $0x0  }
0x14: {  	s2 =	sld [smem:$0x3F98];
	s0 =	simm.s32 @p1 $0x1  }
0x15: {  	[smem:$0x3FB5] =	sst s0;
	s0 =	simm.s32 @!p2 $0x0  }
0x16: {  	s3 =	sld [smem:$0x3FDB];
	s0 =	simm.s32 @p2 $0x1  }
0x17: {  	s4 =	simm.s32 $0x1BF5;
	[smem:$0x3FB7] =	sst s0  }
0x18: {  	s0 =	sld [smem:$0x3F9A];
	_ =	swait.ge [sflag:s4], $0x0  }
0x19: {  	s7 =	sld [smem:$0x3F9B]  }
0x1a: {  	s8 =	sadd.s32 $0xFFFFE003, lr  }
0x1b: {  	s9 =	sadd.s32 $0xFFFFFEF7, lr;
	s5 =	simm.s32 $0xFFFFFFFF;
	p2 =	slt.u32 s8, $0xFFFFF086  }
0x1c: {  	p1 =	slt.u32 s9, $0xF7A;
	s5 =	simm.s32 @!p2 $0x0  }
0x1d: {  	s5 =	simm.s32 @p1 $0x1;
	p0 =	seq.s32 s7, s2  }
0x1e: {  	s7 =	smul.u32 @!p0 $0xF7A, s2;
	p2 =	seq.s32 @!p0 s5, $0x0  }
0x1f: {  	s9 =	smul.u32 $0xF7A, s1;
	s8 =	simm.s32 @!p0 $0x1BF5;
	p2 =	por !p2, p0  }
0x20: {  	[sflag:s8] =	ssyncset.s32 @!p0 $0xFFFFF086;
	s6 =	sadd.s32 @!p0 s3, s7;
	s7 =	simm.s32 @!p0 $0x108  }
0x21: {  	s3 =	sadd.s32 s3, s9;
	s6 =	sadd.s32 @!p0 $0x88, s6;
	s7 =	simm.s32 @p2 $0x1082  }
0x22: {  	[simem:s7], [sflag:s8] =	dma.local @!p0 [hbm:s6], $0xF7A  }
0x23: {  	s9 =	sor.u32 $0xD0000000, s2;
	s6 =	simm.s32 $0x108;
	_ =	swait.ge @!p0 [sflag:s8], $0x0  }
0x24: {  	s3 =	sadd.s32 $0x88, s3;
	s6 =	simm.s32 @!p1 $0x1082;
	[sflag:s4] =	ssyncset.s32 $0xFFFFF086  }
0x25: {  	[simem:s6], [sflag:s4] =	dma.local [hbm:s3], $0xF7A  }
0x26: {  	[smem:$0x3F9B] =	sst s1;
	(tag) =	ssettag s2;
	_ =	strace s9  }
0x27: {  	s1 =	sld [smem:$0x3FAB]  }
0x28: {  	s2 =	sld [smem:$0x3FAC]  }
0x29: {  	s4 =	sld [smem:$0x3FAE]  }
0x2a: {  	p0 =	seq.s32 s5, $0x0;
	s5 =	sld [smem:$0x3FAF]  }
0x2b: {  	s6 =	sld [smem:$0x3FB0]  }
0x2c: {  	s7 =	sld [smem:$0x3FB1]  }
0x2d: {  	s3 =	simm.s32 $0x108;
	s8 =	sld [smem:$0x3FB2]  }
0x2e: {  	s3 =	simm.s32 @!p0 $0x1082;
	s9 =	sld [smem:$0x3FB3]  }
0x2f: {  	lr =	sadd.s32 s0, s3;
	s0 =	sld [smem:$0x3FAA]  }
0x30: {  	s3 =	sld [smem:$0x3FAD]  }
0x31: {  	[smem:$0x3FB6] =	sst s10  }
0x32: {  	s10 =	sld [smem:$0x3FB4];
	_ =	sdelay $0x3  }
0x33: {  	p0 =	seq.s32 s10, $0x1;
	s10 =	sld [smem:$0x3FB6];
	_ =	sdelay $0x3  }
0x34: {  	[smem:$0x3FB6] =	sst s10  }
0x35: {  	s10 =	sld [smem:$0x3FB5];
	_ =	sdelay $0x3  }
0x36: {  	p1 =	seq.s32 s10, $0x1;
	s10 =	sld [smem:$0x3FB6];
	_ =	sdelay $0x3  }
0x37: {  	[smem:$0x3FB6] =	sst s10  }
0x38: {  	s10 =	sld [smem:$0x3FB7]  }
0x39: {  	_ = 	snop;
	(pc) =	sbr.ind lr, $3  }
0x3a: {  	_ = 	snop  }
0x3b: {  	_ = 	snop  }
0x3c: {  	p2 =	seq.s32 s10, $0x1;
	s10 =	sld [smem:$0x3FB6]  }
0x3d: {  	_ =	shalt  }
0x3e: {  	_ =	shalt  }
0x3f: {  	_ =	shalt  }
0x40: {  	_ =	shalt  }
0x41: {  	_ =	shalt  }
0x42: {  	_ =	shalt  }
0x43: {  	_ =	shalt  }
0x44: {  	_ =	shalt  }
0x45: {  	_ =	shalt  }
0x46: {  	_ =	shalt  }
0x47: {  	_ =	shalt  }
0x48: {  	_ =	shalt  }
0x49: {  	_ =	shalt  }
0x4a: {  	_ =	shalt  }
0x4b: {  	_ =	shalt  }
0x4c: {  	_ =	shalt  }
0x4d: {  	_ =	shalt  }
0x4e: {  	_ =	shalt  }
0x4f: {  	_ =	shalt  }
0x50: {  	_ =	shalt  }
0x51: {  	_ =	shalt  }
0x52: {  	_ =	shalt  }
0x53: {  	_ =	shalt  }
0x54: {  	_ =	shalt  }
0x55: {  	_ =	shalt  }
0x56: {  	_ =	shalt  }
0x57: {  	_ =	shalt  }
0x58: {  	_ =	shalt  }
0x59: {  	_ =	shalt  }
0x5a: {  	_ =	shalt  }
0x5b: {  	_ =	shalt  }
0x5c: {  	_ =	shalt  }
0x5d: {  	_ =	shalt  }
0x5e: {  	_ =	shalt  }
0x5f: {  	_ =	shalt  }
0x60: {  	_ =	shalt  }
0x61: {  	_ =	shalt  }
0x62: {  	_ =	shalt  }
0x63: {  	_ =	shalt  }
0x64: {  	_ =	shalt  }
0x65: {  	_ =	shalt  }
0x66: {  	_ =	shalt  }
0x67: {  	_ =	shalt  }
0x68: {  	_ =	shalt  }
0x69: {  	_ =	shalt  }
0x6a: {  	_ =	shalt  }
0x6b: {  	_ =	shalt  }
0x6c: {  	_ =	shalt  }
0x6d: {  	_ =	shalt  }
0x6e: {  	_ =	shalt  }
0x6f: {  	_ =	shalt  }
0x70: {  	_ =	shalt  }
0x71: {  	_ =	shalt  }
0x72: {  	_ =	shalt  }
0x73: {  	_ =	shalt  }
0x74: {  	_ =	shalt  }
0x75: {  	_ =	shalt  }
0x76: {  	_ =	shalt  }
0x77: {  	_ =	shalt  }
0x78: {  	_ =	shalt  }
0x79: {  	_ =	shalt  }
0x7a: {  	_ =	shalt  }
0x7b: {  	_ =	shalt  }
0x7c: {  	_ =	shalt  }
0x7d: {  	_ =	shalt  }
0x7e: {  	_ =	shalt  }
0x7f: {  	_ =	shalt  }
0x80: {  	_ =	shalt  }
0x81: {  	_ =	shalt  }
0x82: {  	_ =	shalt  }
0x83: {  	_ =	shalt  }
0x84: {  	_ =	shalt  }
0x85: {  	_ =	shalt  }
0x86: {  	_ =	shalt  }
0x87: {  	_ =	shalt  }
.Lfunc_end0:
.L_simem_size_0:
called_computation.2_lowered:
.L_overlay_start_0:
0x88: {  	s2 =	sld [smem:$0x3FD9]  }
0x89: {  	s3 =	sld [smem:$0x3FFE];
	_ =	sdelay $0x1  }
0x8a: {  	s1 =	srdreg.scid  }
0x8b: {  	s0 =	sand.u32 $0x1, s1  }
0x8c: {  	s17 =	sshll.u32 s0, $0xA;
	s2 =	sadd.s32 s3, s2  }
0x8d: {  	s2 =	sadd.s32 s2, s17  }
0x8e: {  	[smem:$0x3FC2] =	sst s2  }
0x8f: {  	_ = 	snop  }
0x90: {  	s2 =	sld [smem:$0x3FC8]  }
0x91: {  	s18 =	sld [smem:$0x3FD0];
	(tm) =	ssettm $0x1  }
0x92: {  	s4 =	sld [smem:$0x3FFB];
	_ =	sdelay $0x3  }
0x93: {  	_ =	strace s4  }
0x94: {  	s4 =	sld [smem:$0x3FFC];
	_ =	sdelay $0x3  }
0x95: {  	_ =	strace s4  }
0x96: {  	s4 =	sld [smem:$0x3FFD];
	_ =	sdelay $0x3  }
0x97: {  	_ =	strace s4  }
0x98: {  	_ =	strace $0x8FFFFFFF  }
0x99: {  	s19 =	sld [smem:$0x3FDB];
	_ =	sdelay $0x1  }
0x9a: {  	s5 =	simm.s32 $_scs_section_size  }
0x9b: {  	s6 =	simm.s32 $_size__tile_overlayer_lowered;
	s7 =	simm.s32 $_tile_overlayer_lowered  }
0x9c: {  	s22 =	simm.s32 $0x1BFF;
	s21 =	sshll.u32 s7, $0x1;
	s4 =	sadd.s32 s5, s19  }
0x9d: {  	s8 =	simm.s32 $0x0;
	s20 =	sshll.u32 s6, $0x1;
	s6 =	sadd.s32 s21, s4  }
0x9e: {  	[timem:s8], [sflag:s22] =	dma.local [hbm:s6], s20  }
0x9f: {  	_ =	swait.ge [sflag:s22], s20  }
0xa0: {  	s5 =	ssub.s32 $0x0, s20;
	[sflag:s22] =	ssyncset.done $0x0  }
0xa1: {  	[sflag:s22] =	ssyncadd.s32 s5;
	_ =	sdelay $0x1  }
0xa2: {  	s23 =	simm.s32 $0x1B8B  }
0xa3: {  	_ =	swait.ge [sflag:s23], $0x1  }
0xa4: {  	[sflag:s23] =	ssyncset.done $0x0  }
0xa5: {  	s25 =	simm.s32 $0x1B8E;
	s24 =	sld [smem:$0x3FFE];
	[sflag:s23] =	ssyncadd.s32 $0xFFFFFFFF  }
0xa6: {  	s26 =	simm.s32 $execute0_lowered;
	[smem:$0x3FD2] =	sst s25  }
0xa7: {  	s6 =	sshll.u32 s26, $0x1;
	_ =	strace $0x8000004C;
	[dreg:$0x1] =	wrdreg $0xFFFFFFFF  }
0xa8: {  	s28 =	simm.s32 $_size_execute0_lowered;
	s4 =	sadd.s32 s4, s6;
	[dreg:$0x0] =	wrdreg $0x0  }
0xa9: {  	s6 =	sshll.u32 s28, $0x1;
	[dreg:$0x2] =	wrdreg s4  }
0xaa: {  	[dreg:$0x3] =	wrdreg s6  }
0xab: {  	[dreg:$0x4] =	wrdreg $0xC0  }
0xac: {  	_ =	task [dreg:s8], $0x5FFFF  }
0xad: {  	[dreg:$0x1] =	wrdreg $0xFFFFFFFF  }
0xae: {  	[dreg:$0x0] =	wrdreg $0x60  }
0xaf: {  	[dreg:$0x2] =	wrdreg s24  }
0xb0: {  	[dreg:$0x3] =	wrdreg s2  }
0xb1: {  	[dreg:$0x4] =	wrdreg s18  }
0xb2: {  	[dreg:$0x5] =	wrdreg $0x0  }
0xb3: {  	[dreg:$0x6] =	wrdreg $0x13C00  }
0xb4: {  	[dreg:$0x7] =	wrdreg $0x9  }
0xb5: {  	_ =	task.clear_ibuf [dreg:s8], $0x8FFFF;
	_ =	strace $0x9000004C  }
0xb6: {  	s29 =	simm.s32 $0x9;
	_ =	strace $0x8000004E  }
0xb7: {  	_ =	swait.ge [sflag:s29], $0x1  }
0xb8: {  	[sflag:s29] =	ssyncadd.s32 $0xFFFFFFFF  }
0xb9: {  	_ =	strace $0x9000004E  }
0xba: {  	_ =	sfence  }
0xbb: {  	s30 =	sld [smem:$0x0];
	_ =	sdelay $0x2  }
0xbc: {  	s31 =	sshll.u32 s1, $0xD;
	s1 =	sshrl.u32 s1, $0x2  }
0xbd: {  	s3 =	sand.u32 $0x4000, s31;
	s1 =	sadd.s32 s1, s30  }
0xbe: {  	s0 =	sor.u32 s3, s0;
	s1 =	sshll.u32 s1, $0x11  }
0xbf: {  	s0 =	sor.u32 s1, s0  }
0xc0: {  	s0 =	sadd.s32 $0x8F2B, s0  }
0xc1: {  	[sflag:s0] =	ssyncadd.remote.s32 $0x1  }
0xc2: {  	_ =	sfence.sel $0xFFFF  }
0xc3: {  	[dreg:$0x0] =	wrdreg $0xFFFFFFFF;
	(pc) =	sbr.abs _section_cstart, $3  }
0xc4: {  	[dreg:$0x1] =	wrdreg $0xFFFFFFFF  }
0xc5: {  	_ =	task.clear_ibuf [dreg:s8], $0x2FFFF;
	_ =	strace $0x9FFFFFFF  }
0xc6: {  	(tm) =	ssettm $0x7FFFFFFF  }
0xc7: {  	_ =	shalt  }
tec
execute0_lowered:
.L_overlay_start_1:
0x0: {  	(tag) =	ssettag $0x1  }
0x1: {  	s6 =	rddreg [dreg:$0x0]  }
0x2: {  	s10 =	rddreg [dreg:$0x1]  }
0x3: {  	s7 =	rddreg [dreg:$0x2]  }
0x4: {  	s2 =	rddreg [dreg:$0x3]  }
0x5: {  	s3 =	rddreg [dreg:$0x4]  }
0x6: {  	s0 =	stileid.u32;
	s5 =	srdreg.scid  }
0x7: {  	s1 =	rddreg [dreg:$0x5];
	s4 =	simm.s32 $0x0;
	s19 =	simm.s32 $0x7F80  }
0x8: {  	s20 =	simm.s32 $0x1;
	s21 =	simm.s32 $0x2;
	s8 =	smul.u32 $0x13C0, s0  }
0x9: {  	s9 =	sand.u32 $0x1, s5;
	[smem:$0x7FF] =	sst s4;
	s5 =	sadd.s32 $0x1E00, s6  }
0xa: {  	s31 =	sshll.u32 s0, $0x6;
	s12 =	smul.u32 $0x13C00, s9;
	_ =	strace $0x8000004D  }
0xb: {  	s14 =	ssub.s32 $0x2, s9;
	s9 =	sshll.u32 s9, $0x4;
	s11 =	sshrl.u32 s8, $0x3  }
0xc: {  	s15 =	sshrl.u32 s14, $0x1;
	s30 =	sor.u32 s0, s9;
	s16 =	sadd.s32 s8, s2  }
0xd: {  	s18 =	sadd.s32 s8, s3;
	s13 =	sadd.s32 s11, s6;
	s12 =	sadd.s32 s8, s12  }
0xe: {  	s14 =	ssub.s32 s14, s15;
	s17 =	smul.u32 $0xA00, s30;
	p0 =	seq.s32 s30, $0x1F  }
0xf: {  	s15 =	sshrl.u32 s18, $0x3;
	s18 =	simm.s32 $0x7B80;
	s12 =	sshrl.u32 s12, $0x3  }
0x10: {  	s8 =	sadd.s32 $0x2600, s13;
	s13 =	sshrl.u32 s16, $0x3;
	s16 =	simm.s32 $0x80  }
0x11: {  	s12 =	sadd.s32 s12, s6;
	s6 =	sadd.s32 s7, s11;
	s7 =	sor.u32 $0x1C03, s31  }
0x12: {  	s9 =	sadd.s32 s10, s17;
	s10 =	sadd.s32 $0x13600, s10;
	s17 =	simm.s32 $0x2780  }
0x13: {  	s11 =	sadd.s32 $0x4E00, s12;
	s12 =	smax.u32 s14, $0x1;
	s14 =	simm.s32 $0x3  }
.LBB2_1:
0x14: {  	[spmem:s13], [sflag:s7] =	dma.local [hbm:s6], $0x278  }
0x15: {  	_ =	swait.ge [sflag:s14], $0x278  }
0x16: {  	[sflag:s14] =	ssyncset.done $0x0  }
0x17: {  	[sflag:s14] =	ssyncadd.s32 $0xFFFFFD88  }
0x18: {  	[spmem:s15], [sflag:s7] =	dma.local [hbm:s8], $0x278  }
0x19: {  	_ =	swait.ge [sflag:s14], $0x278  }
0x1a: {  	[sflag:s14] =	ssyncset.done $0x0  }
0x1b: {  	s22 =	simm.s32 @p0 $0x0;
	s23 =	simm.s32 @p0 $0x2780;
	[sflag:s14] =	ssyncadd.s32 $0xFFFFFD88  }
0x1c: {  	[tilespmem:s23], [sflag:$0x3] =	stream.linear.gather @p0 [hbm4b:s10+s22], $0x1400, $0x38;
	[tilespmem:$0x8380] =	vst v63  }
0x1d: {  	s23 =	simm.s32 @p0 $0x3  }
0x1e: {  	_ =	swait.ge @p0 [sflag:s23], $0x1400  }
0x1f: {  	[sflag:s23] =	ssyncset.done @p0 $0x0  }
0x20: {  	s24 =	simm.s32 @p0 $0x3B80;
	[sflag:s23] =	ssyncadd.s32 @p0 $0xFFFFEC00  }
0x21: {  	[tilespmem:s24], [sflag:$0x3] =	stream.linear.gather @p0 [hbm4b:s5+s22], $0x4000, $0x38;
	[tilespmem:$0x8380] =	vst v63  }
0x22: {  	_ =	swait.ge @p0 [sflag:s23], $0x4000  }
0x23: {  	[sflag:s23] =	ssyncset.done @p0 $0x0  }
0x24: {  	s22 =	simm.s32 @!p0 $0x0;
	[sflag:s23] =	ssyncadd.s32 @p0 $0xFFFFC000;
	s23 =	simm.s32 @!p0 $0x2780  }
0x25: {  	[tilespmem:s23], [sflag:$0x3] =	stream.linear.gather @!p0 [hbm4b:s9+s22], $0x5000, $0x38;
	[tilespmem:$0x8380] =	vst v63  }
0x26: {  	s23 =	simm.s32 @!p0 $0x3  }
0x27: {  	_ =	swait.ge @!p0 [sflag:s23], $0x5000  }
0x28: {  	[sflag:s23] =	ssyncset.done @!p0 $0x0  }
0x29: {  	s24 =	simm.s32 @!p0 $0x7780;
	[sflag:s23] =	ssyncadd.s32 @!p0 $0xFFFFB000  }
0x2a: {  	[tilespmem:s24], [sflag:$0x3] =	stream.linear.gather @!p0 [hbm4b:s5+s22], $0x400, $0x38;
	[tilespmem:$0x8380] =	vst v63  }
0x2b: {  	_ =	swait.ge @!p0 [sflag:s23], $0x400  }
0x2c: {  	[sflag:s23] =	ssyncset.done @!p0 $0x0  }
0x2d: {  	[sflag:s23] =	ssyncadd.s32 @!p0 $0xFFFFFC00  }
0x2e: {  	[bflag:$0x0] =	sbarrier.arrive $0xFFFF  }
0x2f: {  	[tilespmem:s18], [sflag:$0x1] =	stream.indirect.gather [spmem:s3], $0x8, s17, s16, $0xb8;
	[tilespmem:$0x8380] =	vst v63  }
0x30: {  	s28 =	simm.s32 $0x2880  }
0x31: {  	[tilespmem:s19], [sflag:$0x2] =	stream.indirect.gather [spmem:s3], $0x8, s28, s16, $0xb8;
	[tilespmem:$0x8380] =	vst v63  }
0x32: {  	_ =	swait.ge [sflag:s20], $0x400  }
0x33: {  	[sflag:s20] =	ssyncset.done $0x0  }
0x34: {  	s29 =	simm.s32 $0x2800;
	[sflag:s20] =	ssyncadd.s32 $0xFFFFFC00  }
0x35: {  	[spmem:s2] =	stream.indirect.scatter.add.f32 [tilespmem:s18], [sflag:$0x3], $0x8, s29, s16, $0xb8;
	[tilespmem:$0x8380] =	vst v63  }
0x36: {  	_ =	swait.ge [sflag:s14], $0x400  }
0x37: {  	[sflag:s14] =	ssyncset.done $0x0  }
0x38: {  	s30 =	simm.s32 $0x2980;
	[sflag:s14] =	ssyncadd.s32 $0xFFFFFC00  }
0x39: {  	[tilespmem:s18], [sflag:$0x1] =	stream.indirect.gather [spmem:s3], $0x8, s30, s16, $0xb8;
	[tilespmem:$0x8380] =	vst v63  }
0x3a: {  	_ =	swait.ge [sflag:s21], $0x400  }
0x3b: {  	[sflag:s21] =	ssyncset.done $0x0  }
0x3c: {  	s31 =	simm.s32 $0x2900;
	[sflag:s21] =	ssyncadd.s32 $0xFFFFFC00  }
0x3d: {  	[spmem:s2] =	stream.indirect.scatter.add.f32 [tilespmem:s19], [sflag:$0x3], $0x8, s31, s16, $0xb8;
	[tilespmem:$0x8380] =	vst v63  }
0x3e: {  	_ =	swait.ge [sflag:s14], $0x400  }
0x3f: {  	s22 =	simm.s32 $0xFFFFB200;
	s23 =	simm.s32 $0xFFFED000;
	[sflag:s14] =	ssyncset.done $0x0  }
.LBB2_2:
0x40: {  	s24 =	sadd.s32 $0x7880, s22  }
0x41: {  	[sflag:s14] =	ssyncadd.s32 $0xFFFFFC00;
	s25 =	smov.u32 s23;
	s26 =	sadd.s32 $0x800, s23  }
0x42: {  	[tilespmem:s19], [sflag:$0x2] =	stream.indirect.gather [spmem:s3], $0x8, s24, s16, $0xb8;
	[tilespmem:$0x8380] =	vst v63  }
0x43: {  	p1 =	sne.s32 s23, $0xFFFFF800;
	_ =	swait.ge [sflag:s20], $0x400  }
0x44: {  	[sflag:s20] =	ssyncset.done $0x0  }
0x45: {  	s23 =	sadd.s32 $0x7800, s22;
	[sflag:s20] =	ssyncadd.s32 $0xFFFFFC00  }
0x46: {  	[spmem:s2] =	stream.indirect.scatter.add.f32 [tilespmem:s18], [sflag:$0x3], $0x8, s23, s16, $0xb8;
	[tilespmem:$0x8380] =	vst v63  }
0x47: {  	_ =	swait.ge [sflag:s14], $0x400  }
0x48: {  	[sflag:s14] =	ssyncset.done $0x0  }
0x49: {  	s23 =	sadd.s32 $0x7980, s22;
	[sflag:s14] =	ssyncadd.s32 $0xFFFFFC00  }
0x4a: {  	[tilespmem:s18], [sflag:$0x1] =	stream.indirect.gather [spmem:s3], $0x8, s23, s16, $0xb8;
	[tilespmem:$0x8380] =	vst v63  }
0x4b: {  	_ =	swait.ge [sflag:s21], $0x400  }
.Ltmp0:
0x4c: {  	[sflag:s21] =	ssyncset.done $0x0;
	(pc) =	sbr.rel @p1 .LBB2_2-.Ltmp0, $4  }
0x4d: {  	s22 =	sadd.s32 $0x7900, s22;
	[sflag:s21] =	ssyncadd.s32 $0xFFFFFC00  }
0x4e: {  	[spmem:s2] =	stream.indirect.scatter.add.f32 [tilespmem:s19], [sflag:$0x3], $0x8, s22, s16, $0xb8;
	[tilespmem:$0x8380] =	vst v63  }
0x4f: {  	_ =	swait.ge [sflag:s14], $0x400  }
0x50: {  	s23 =	smov.u32 s26;
	s22 =	sshra.s32 s25, $0x2;
	[sflag:s14] =	ssyncset.done $0x0  }
0x51: {  	s23 =	sadd.s32 $0x7880, s22;
	[sflag:s14] =	ssyncadd.s32 $0xFFFFFC00  }
0x52: {  	[tilespmem:s19], [sflag:$0x2] =	stream.indirect.gather [spmem:s3], $0x8, s23, s16, $0xb8;
	[tilespmem:$0x8380] =	vst v63  }
0x53: {  	_ =	swait.ge [sflag:s20], $0x400  }
0x54: {  	[sflag:s20] =	ssyncset.done $0x0  }
0x55: {  	s29 =	sadd.s32 $0x7800, s22;
	[sflag:s20] =	ssyncadd.s32 $0xFFFFFC00  }
0x56: {  	[spmem:s2] =	stream.indirect.scatter.add.f32 [tilespmem:s18], [sflag:$0x3], $0x8, s29, s16, $0xb8;
	[tilespmem:$0x8380] =	vst v63  }
0x57: {  	_ =	swait.ge [sflag:s14], $0x400  }
0x58: {  	[sflag:s14] =	ssyncset.done $0x0  }
0x59: {  	s30 =	sadd.s32 $0x7980, s22;
	[sflag:s14] =	ssyncadd.s32 $0xFFFFFC00  }
0x5a: {  	[tilespmem:s18], [sflag:$0x1] =	stream.indirect.gather [spmem:s3], $0x8, s30, s16, $0xb8;
	[tilespmem:$0x8380] =	vst v63  }
0x5b: {  	_ =	swait.ge [sflag:s21], $0x400  }
0x5c: {  	[sflag:s21] =	ssyncset.done $0x0  }
0x5d: {  	s31 =	sadd.s32 $0x7900, s22;
	[sflag:s21] =	ssyncadd.s32 $0xFFFFFC00  }
0x5e: {  	[spmem:s2] =	stream.indirect.scatter.add.f32 [tilespmem:s19], [sflag:$0x3], $0x8, s31, s16, $0xb8;
	[tilespmem:$0x8380] =	vst v63  }
0x5f: {  	_ =	swait.ge [sflag:s14], $0x400  }
0x60: {  	[sflag:s14] =	ssyncset.done $0x0  }
0x61: {  	[sflag:s14] =	ssyncadd.s32 $0xFFFFFC00  }
0x62: {  	_ =	swait.ge [sflag:s20], $0x400  }
0x63: {  	s4 =	sadd.s32 $0x1, s4;
	[sflag:s20] =	ssyncset.done $0x0  }
0x64: {  	p1 =	sne.s32 s4, s12;
	[sflag:s20] =	ssyncadd.s32 $0xFFFFFC00  }
.Ltmp1:
0x65: {  	[bflag:$0x0] =	sbarrier.arrive $0xFFFF;
	(pc) =	sbr.rel @p1 .LBB2_1-.Ltmp1, $4  }
0x66: {  	[hbm:s11], [sflag:s7] =	dma.local [spmem:s13], $0x278  }
0x67: {  	_ =	swait.ge [sflag:s14], $0x278  }
0x68: {  	[sflag:s14] =	ssyncset.done $0x0  }
0x69: {  	[sflag:s14] =	ssyncadd.s32 $0xFFFFFD88  }
0x6a: {  	_ =	sfence.sel $0x180000  }
0x6b: {  	[bflag:$0x0] =	sbarrier.arrive $0xFFFF  }
0x6c: {  	p0 =	sne.s32 s0, $0x0;
	_ =	strace $0x9000004D  }
0x6d: {  	s0 =	sadd.s32 @!p0 $0x100000, s1;
	[bflag:$0x2] =	sbarrier.arrive $0xFFFF  }
0x6e: {  	[sflag:s0] =	ssyncadd.tile.s32 @!p0 $0x1;
	_ =	shalt  }
.Lfunc_end2:
_tile_overlayer_lowered:
.L_overlay_start_2:
0x6f: {  	(tag) =	ssettag $0x2  }
0x70: {  	s0 =	rddreg [dreg:$0x0];
	s2 =	stileid.u32  }
0x71: {  	s1 =	rddreg [dreg:$0x1];
	p0 =	sne.s32 s2, $0x0  }
0x72: {  	s3 =	rddreg [dreg:$0x2];
	[bflag:$0x3] =	sbarrier.arrive $0xFFFF;
	s2 =	simm.s32 @!p0 $0x1C03  }
0x73: {  	[timem:s3], [sflag:s2] =	dma.local @!p0 [hbm:s0], s1  }
0x74: {  	s0 =	simm.s32 @!p0 $0x3  }
0x75: {  	_ =	swait.ge @!p0 [sflag:s0], s1  }
0x76: {  	s1 =	ssub.s32 @!p0 $0x0, s1;
	[sflag:s0] =	ssyncset.done @!p0 $0x0  }
0x77: {  	[sflag:s0] =	ssyncadd.s32 @!p0 s1  }
0x78: {  	[bflag:$0x3] =	sbarrier.arrive $0xFFFF  }
0x79: {  	_ =	shalt  }

// kernel: kernel.9.cloned.1.call-start
scs
__scs_entry_jumppad:
0x0: {  	(pc) =	sbr.rel $0x88, $3  }
0x1: {  	(tag) =	ssettag $0x0;
	lr =	simm.s32 $0x1  }
0x2: {  	[smem:$0x3F9B] =	sst lr;
	_ =	strace $0xD0000000  }
0x3: {  	_ = 	snop  }
0x4: {  	_ = 	snop  }
0x5: {  	_ = 	snop  }
0x6: {  	_ = 	snop  }
0x7: {  	_ = 	snop  }
__scs_overlays_trampoline_lowered:
0x8: {  	[smem:$0x3FAA] =	sst s0  }
0x9: {  	[smem:$0x3FAB] =	sst s1  }
0xa: {  	[smem:$0x3FAC] =	sst s2  }
0xb: {  	[smem:$0x3FAD] =	sst s3  }
0xc: {  	[smem:$0x3FAE] =	sst s4  }
0xd: {  	[smem:$0x3FAF] =	sst s5  }
0xe: {  	[smem:$0x3FB0] =	sst s6  }
0xf: {  	[smem:$0x3FB1] =	sst s7  }
0x10: {  	[smem:$0x3FB2] =	sst s8  }
0x11: {  	[smem:$0x3FB3] =	sst s9;
	s0 =	simm.s32 @!p0 $0x0  }
0x12: {  	s1 =	sld [smem:$0x3F99];
	s0 =	simm.s32 @p0 $0x1  }
0x13: {  	[smem:$0x3FB4] =	sst s0;
	s0 =	simm.s32 @!p1 $0x0  }
0x14: {  	s2 =	sld [smem:$0x3F98];
	s0 =	simm.s32 @p1 $0x1  }
0x15: {  	[smem:$0x3FB5] =	sst s0;
	s0 =	simm.s32 @!p2 $0x0  }
0x16: {  	s3 =	sld [smem:$0x3FDB];
	s0 =	simm.s32 @p2 $0x1  }
0x17: {  	s4 =	simm.s32 $0x1BF5;
	[smem:$0x3FB7] =	sst s0  }
0x18: {  	s0 =	sld [smem:$0x3F9A];
	_ =	swait.ge [sflag:s4], $0x0  }
0x19: {  	s7 =	sld [smem:$0x3F9B]  }
0x1a: {  	s8 =	sadd.s32 $0xFFFFE003, lr  }
0x1b: {  	s9 =	sadd.s32 $0xFFFFFEF7, lr;
	s5 =	simm.s32 $0xFFFFFFFF;
	p2 =	slt.u32 s8, $0xFFFFF086  }
0x1c: {  	p1 =	slt.u32 s9, $0xF7A;
	s5 =	simm.s32 @!p2 $0x0  }
0x1d: {  	s5 =	simm.s32 @p1 $0x1;
	p0 =	seq.s32 s7, s2  }
0x1e: {  	s7 =	smul.u32 @!p0 $0xF7A, s2;
	p2 =	seq.s32 @!p0 s5, $0x0  }
0x1f: {  	s9 =	smul.u32 $0xF7A, s1;
	s8 =	simm.s32 @!p0 $0x1BF5;
	p2 =	por !p2, p0  }
0x20: {  	[sflag:s8] =	ssyncset.s32 @!p0 $0xFFFFF086;
	s6 =	sadd.s32 @!p0 s3, s7;
	s7 =	simm.s32 @!p0 $0x108  }
0x21: {  	s3 =	sadd.s32 s3, s9;
	s6 =	sadd.s32 @!p0 $0x88, s6;
	s7 =	simm.s32 @p2 $0x1082  }
0x22: {  	[simem:s7], [sflag:s8] =	dma.local @!p0 [hbm:s6], $0xF7A  }
0x23: {  	s9 =	sor.u32 $0xD0000000, s2;
	s6 =	simm.s32 $0x108;
	_ =	swait.ge @!p0 [sflag:s8], $0x0  }
0x24: {  	s3 =	sadd.s32 $0x88, s3;
	s6 =	simm.s32 @!p1 $0x1082;
	[sflag:s4] =	ssyncset.s32 $0xFFFFF086  }
0x25: {  	[simem:s6], [sflag:s4] =	dma.local [hbm:s3], $0xF7A  }
0x26: {  	[smem:$0x3F9B] =	sst s1;
	(tag) =	ssettag s2;
	_ =	strace s9  }
0x27: {  	s1 =	sld [smem:$0x3FAB]  }
0x28: {  	s2 =	sld [smem:$0x3FAC]  }
0x29: {  	s4 =	sld [smem:$0x3FAE]  }
0x2a: {  	p0 =	seq.s32 s5, $0x0;
	s5 =	sld [smem:$0x3FAF]  }
0x2b: {  	s6 =	sld [smem:$0x3FB0]  }
0x2c: {  	s7 =	sld [smem:$0x3FB1]  }
0x2d: {  	s3 =	simm.s32 $0x108;
	s8 =	sld [smem:$0x3FB2]  }
0x2e: {  	s3 =	simm.s32 @!p0 $0x1082;
	s9 =	sld [smem:$0x3FB3]  }
0x2f: {  	lr =	sadd.s32 s0, s3;
	s0 =	sld [smem:$0x3FAA]  }
0x30: {  	s3 =	sld [smem:$0x3FAD]  }
0x31: {  	[smem:$0x3FB6] =	sst s10  }
0x32: {  	s10 =	sld [smem:$0x3FB4];
	_ =	sdelay $0x3  }
0x33: {  	p0 =	seq.s32 s10, $0x1;
	s10 =	sld [smem:$0x3FB6];
	_ =	sdelay $0x3  }
0x34: {  	[smem:$0x3FB6] =	sst s10  }
0x35: {  	s10 =	sld [smem:$0x3FB5];
	_ =	sdelay $0x3  }
0x36: {  	p1 =	seq.s32 s10, $0x1;
	s10 =	sld [smem:$0x3FB6];
	_ =	sdelay $0x3  }
0x37: {  	[smem:$0x3FB6] =	sst s10  }
0x38: {  	s10 =	sld [smem:$0x3FB7]  }
0x39: {  	_ = 	snop;
	(pc) =	sbr.ind lr, $3  }
0x3a: {  	_ = 	snop  }
0x3b: {  	_ = 	snop  }
0x3c: {  	p2 =	seq.s32 s10, $0x1;
	s10 =	sld [smem:$0x3FB6]  }
0x3d: {  	_ =	shalt  }
0x3e: {  	_ =	shalt  }
0x3f: {  	_ =	shalt  }
0x40: {  	_ =	shalt  }
0x41: {  	_ =	shalt  }
0x42: {  	_ =	shalt  }
0x43: {  	_ =	shalt  }
0x44: {  	_ =	shalt  }
0x45: {  	_ =	shalt  }
0x46: {  	_ =	shalt  }
0x47: {  	_ =	shalt  }
0x48: {  	_ =	shalt  }
0x49: {  	_ =	shalt  }
0x4a: {  	_ =	shalt  }
0x4b: {  	_ =	shalt  }
0x4c: {  	_ =	shalt  }
0x4d: {  	_ =	shalt  }
0x4e: {  	_ =	shalt  }
0x4f: {  	_ =	shalt  }
0x50: {  	_ =	shalt  }
0x51: {  	_ =	shalt  }
0x52: {  	_ =	shalt  }
0x53: {  	_ =	shalt  }
0x54: {  	_ =	shalt  }
0x55: {  	_ =	shalt  }
0x56: {  	_ =	shalt  }
0x57: {  	_ =	shalt  }
0x58: {  	_ =	shalt  }
0x59: {  	_ =	shalt  }
0x5a: {  	_ =	shalt  }
0x5b: {  	_ =	shalt  }
0x5c: {  	_ =	shalt  }
0x5d: {  	_ =	shalt  }
0x5e: {  	_ =	shalt  }
0x5f: {  	_ =	shalt  }
0x60: {  	_ =	shalt  }
0x61: {  	_ =	shalt  }
0x62: {  	_ =	shalt  }
0x63: {  	_ =	shalt  }
0x64: {  	_ =	shalt  }
0x65: {  	_ =	shalt  }
0x66: {  	_ =	shalt  }
0x67: {  	_ =	shalt  }
0x68: {  	_ =	shalt  }
0x69: {  	_ =	shalt  }
0x6a: {  	_ =	shalt  }
0x6b: {  	_ =	shalt  }
0x6c: {  	_ =	shalt  }
0x6d: {  	_ =	shalt  }
0x6e: {  	_ =	shalt  }
0x6f: {  	_ =	shalt  }
0x70: {  	_ =	shalt  }
0x71: {  	_ =	shalt  }
0x72: {  	_ =	shalt  }
0x73: {  	_ =	shalt  }
0x74: {  	_ =	shalt  }
0x75: {  	_ =	shalt  }
0x76: {  	_ =	shalt  }
0x77: {  	_ =	shalt  }
0x78: {  	_ =	shalt  }
0x79: {  	_ =	shalt  }
0x7a: {  	_ =	shalt  }
0x7b: {  	_ =	shalt  }
0x7c: {  	_ =	shalt  }
0x7d: {  	_ =	shalt  }
0x7e: {  	_ =	shalt  }
0x7f: {  	_ =	shalt  }
0x80: {  	_ =	shalt  }
0x81: {  	_ =	shalt  }
0x82: {  	_ =	shalt  }
0x83: {  	_ =	shalt  }
0x84: {  	_ =	shalt  }
0x85: {  	_ =	shalt  }
0x86: {  	_ =	shalt  }
0x87: {  	_ =	shalt  }
.Lfunc_end0:
.L_simem_size_0:
called_computation_lowered:
.L_overlay_start_0:
0x88: {  	s2 =	sld [smem:$0x3FD9]  }
0x89: {  	s3 =	sld [smem:$0x3FFE];
	_ =	sdelay $0x1  }
0x8a: {  	s1 =	srdreg.scid  }
0x8b: {  	s0 =	sand.u32 $0x1, s1  }
0x8c: {  	s17 =	sshll.u32 s0, $0xA;
	s2 =	sadd.s32 s3, s2  }
0x8d: {  	s2 =	sadd.s32 s2, s17  }
0x8e: {  	[smem:$0x3FC2] =	sst s2  }
0x8f: {  	_ = 	snop  }
0x90: {  	s2 =	sld [smem:$0x3FC8]  }
0x91: {  	s18 =	sld [smem:$0x3FD0];
	(tm) =	ssettm $0x1  }
0x92: {  	s4 =	sld [smem:$0x3FFB];
	_ =	sdelay $0x3  }
0x93: {  	_ =	strace s4  }
0x94: {  	s4 =	sld [smem:$0x3FFC];
	_ =	sdelay $0x3  }
0x95: {  	_ =	strace s4  }
0x96: {  	s4 =	sld [smem:$0x3FFD];
	_ =	sdelay $0x3  }
0x97: {  	_ =	strace s4  }
0x98: {  	_ =	strace $0x8FFFFFFF  }
0x99: {  	s19 =	sld [smem:$0x3FDB];
	_ =	sdelay $0x1  }
0x9a: {  	s5 =	simm.s32 $_scs_section_size  }
0x9b: {  	s6 =	simm.s32 $_size__tile_overlayer_lowered;
	s7 =	simm.s32 $_tile_overlayer_lowered  }
0x9c: {  	s22 =	simm.s32 $0x1BFF;
	s21 =	sshll.u32 s7, $0x1;
	s4 =	sadd.s32 s5, s19  }
0x9d: {  	s8 =	simm.s32 $0x0;
	s20 =	sshll.u32 s6, $0x1;
	s6 =	sadd.s32 s21, s4  }
0x9e: {  	[timem:s8], [sflag:s22] =	dma.local [hbm:s6], s20  }
0x9f: {  	_ =	swait.ge [sflag:s22], s20  }
0xa0: {  	s5 =	ssub.s32 $0x0, s20;
	[sflag:s22] =	ssyncset.done $0x0  }
0xa1: {  	[sflag:s22] =	ssyncadd.s32 s5;
	_ =	sdelay $0x1  }
0xa2: {  	s23 =	simm.s32 $0x1B8B  }
0xa3: {  	_ =	swait.ge [sflag:s23], $0x1  }
0xa4: {  	[sflag:s23] =	ssyncset.done $0x0  }
0xa5: {  	s25 =	simm.s32 $0x1B8E;
	s24 =	sld [smem:$0x3FFE];
	[sflag:s23] =	ssyncadd.s32 $0xFFFFFFFF  }
0xa6: {  	s26 =	simm.s32 $execute0_lowered;
	[smem:$0x3FD2] =	sst s25  }
0xa7: {  	s6 =	sshll.u32 s26, $0x1;
	_ =	strace $0x80000046;
	[dreg:$0x1] =	wrdreg $0xFFFFFFFF  }
0xa8: {  	s28 =	simm.s32 $_size_execute0_lowered;
	s4 =	sadd.s32 s4, s6;
	[dreg:$0x0] =	wrdreg $0x0  }
0xa9: {  	s6 =	sshll.u32 s28, $0x1;
	[dreg:$0x2] =	wrdreg s4  }
0xaa: {  	[dreg:$0x3] =	wrdreg s6  }
0xab: {  	[dreg:$0x4] =	wrdreg $0xC0  }
0xac: {  	_ =	task [dreg:s8], $0x5FFFF  }
0xad: {  	[dreg:$0x1] =	wrdreg $0xFFFFFFFF  }
0xae: {  	[dreg:$0x0] =	wrdreg $0x60  }
0xaf: {  	[dreg:$0x2] =	wrdreg s2  }
0xb0: {  	[dreg:$0x3] =	wrdreg s24  }
0xb1: {  	[dreg:$0x4] =	wrdreg s18  }
0xb2: {  	[dreg:$0x5] =	wrdreg $0x0  }
0xb3: {  	[dreg:$0x6] =	wrdreg $0x9  }
0xb4: {  	_ =	task.clear_ibuf [dreg:s8], $0x7FFFF;
	_ =	strace $0x90000046  }
0xb5: {  	s29 =	simm.s32 $0x9;
	_ =	strace $0x80000048  }
0xb6: {  	_ =	swait.ge [sflag:s29], $0x1  }
0xb7: {  	[sflag:s29] =	ssyncadd.s32 $0xFFFFFFFF  }
0xb8: {  	_ =	strace $0x90000048  }
0xb9: {  	_ =	sfence  }
0xba: {  	s30 =	sld [smem:$0x0];
	_ =	sdelay $0x2  }
0xbb: {  	s31 =	sshll.u32 s1, $0xD;
	s1 =	sshrl.u32 s1, $0x2  }
0xbc: {  	s3 =	sand.u32 $0x4000, s31;
	s1 =	sadd.s32 s1, s30  }
0xbd: {  	s0 =	sor.u32 s3, s0;
	s1 =	sshll.u32 s1, $0x11  }
0xbe: {  	s0 =	sor.u32 s1, s0  }
0xbf: {  	s0 =	sadd.s32 $0x8F2B, s0  }
0xc0: {  	[sflag:s0] =	ssyncadd.remote.s32 $0x1  }
0xc1: {  	_ =	sfence.sel $0xFFFF  }
0xc2: {  	[dreg:$0x0] =	wrdreg $0xFFFFFFFF;
	(pc) =	sbr.abs _section_cstart, $3  }
0xc3: {  	[dreg:$0x1] =	wrdreg $0xFFFFFFFF  }
0xc4: {  	_ =	task.clear_ibuf [dreg:s8], $0x2FFFF;
	_ =	strace $0x9FFFFFFF  }
0xc5: {  	(tm) =	ssettm $0x7FFFFFFF  }
tec
execute0_lowered:
.L_overlay_start_1:
0x0: {  	(tag) =	ssettag $0x1  }
0x1: {  	s9 =	rddreg [dreg:$0x0]  }
0x2: {  	s6 =	rddreg [dreg:$0x1]  }
0x3: {  	s7 =	rddreg [dreg:$0x2]  }
0x4: {  	s2 =	rddreg [dreg:$0x3]  }
0x5: {  	s0 =	rddreg [dreg:$0x4];
	s4 =	srdreg.scid  }
0x6: {  	s1 =	stileid.u32;
	s3 =	simm.s32 $0x0;
	s15 =	simm.s32 $0x80  }
0x7: {  	s16 =	simm.s32 $0x0;
	s8 =	sand.u32 $0x1, s4;
	s10 =	smul.u32 $0x13C0, s1  }
0x8: {  	[smem:$0x7FF] =	sst s3;
	s4 =	sadd.s32 $0x1E00, s6;
	s5 =	sadd.s32 $0x2600, s6  }
0x9: {  	s31 =	sshll.u32 s1, $0x6;
	s11 =	smul.u32 $0x13C00, s8;
	s12 =	ssub.s32 $0x2, s8  }
0xa: {  	_ =	strace $0x80000047;
	s8 =	sshll.u32 s8, $0x4;
	s13 =	sshrl.u32 s12, $0x1  }
0xb: {  	s14 =	sor.u32 s1, s8;
	s29 =	sadd.s32 s10, s2;
	s30 =	sshrl.u32 s10, $0x3  }
0xc: {  	s11 =	sadd.s32 s10, s11;
	s12 =	ssub.s32 s12, s13;
	s8 =	smul.u32 $0xA00, s14  }
0xd: {  	p0 =	seq.s32 s14, $0x1F;
	s13 =	simm.s32 $0x1;
	s11 =	sshrl.u32 s11, $0x3  }
0xe: {  	s14 =	simm.s32 $0x67C0;
	s11 =	sadd.s32 s11, s6;
	s6 =	sadd.s32 s7, s30  }
0xf: {  	s7 =	sor.u32 $0x1C01, s31;
	s8 =	sadd.s32 s9, s8;
	s9 =	sadd.s32 $0x13600, s9  }
0x10: {  	s10 =	sadd.s32 $0x2800, s11;
	s11 =	smax.u32 s12, $0x1;
	s12 =	sshrl.u32 s29, $0x3  }
.LBB2_1:
0x11: {  	[spmem:s12], [sflag:s7] =	dma.local [hbm:s6], $0x278  }
0x12: {  	_ =	swait.ge [sflag:s13], $0x278  }
0x13: {  	[sflag:s13] =	ssyncset.done $0x0  }
0x14: {  	[sflag:s13] =	ssyncadd.s32 $0xFFFFFD88  }
0x15: {  	[tilespmem:s14], [sflag:$0x1] =	stream.linear.gather [hbm4b:s5+s3], $0x400, $0x38;
	[tilespmem:$0x6BC0] =	vst v63  }
0x16: {  	_ =	swait.ge [sflag:s13], $0x400  }
0x17: {  	[sflag:s13] =	ssyncset.done $0x0  }
0x18: {  	s17 =	simm.s32 @p0 $0x0;
	s18 =	simm.s32 @p0 $0x13C0;
	[sflag:s13] =	ssyncadd.s32 $0xFFFFFC00  }
0x19: {  	[tilespmem:s18], [sflag:$0x1] =	stream.linear.gather @p0 [hbm4b:s9+s17], $0x1400, $0x38;
	[tilespmem:$0x6BC0] =	vst v63  }
0x1a: {  	s18 =	simm.s32 @p0 $0x1  }
0x1b: {  	_ =	swait.ge @p0 [sflag:s18], $0x1400  }
0x1c: {  	[sflag:s18] =	ssyncset.done @p0 $0x0  }
0x1d: {  	s19 =	simm.s32 @p0 $0x27C0;
	[sflag:s18] =	ssyncadd.s32 @p0 $0xFFFFEC00  }
0x1e: {  	[tilespmem:s19], [sflag:$0x1] =	stream.linear.gather @p0 [hbm4b:s4+s17], $0x4000, $0x38;
	[tilespmem:$0x6BC0] =	vst v63  }
0x1f: {  	_ =	swait.ge @p0 [sflag:s18], $0x4000  }
0x20: {  	[sflag:s18] =	ssyncset.done @p0 $0x0  }
0x21: {  	s17 =	simm.s32 @!p0 $0x0;
	[sflag:s18] =	ssyncadd.s32 @p0 $0xFFFFC000;
	s18 =	simm.s32 @!p0 $0x13C0  }
0x22: {  	[tilespmem:s18], [sflag:$0x1] =	stream.linear.gather @!p0 [hbm4b:s8+s17], $0x5000, $0x38;
	[tilespmem:$0x6BC0] =	vst v63  }
0x23: {  	s18 =	simm.s32 @!p0 $0x1  }
0x24: {  	_ =	swait.ge @!p0 [sflag:s18], $0x5000  }
0x25: {  	[sflag:s18] =	ssyncset.done @!p0 $0x0  }
0x26: {  	s19 =	simm.s32 @!p0 $0x63C0;
	[sflag:s18] =	ssyncadd.s32 @!p0 $0xFFFFB000  }
0x27: {  	[tilespmem:s19], [sflag:$0x1] =	stream.linear.gather @!p0 [hbm4b:s4+s17], $0x400, $0x38;
	[tilespmem:$0x6BC0] =	vst v63  }
0x28: {  	_ =	swait.ge @!p0 [sflag:s18], $0x400  }
0x29: {  	[sflag:s18] =	ssyncset.done @!p0 $0x0  }
0x2a: {  	[sflag:s18] =	ssyncadd.s32 @!p0 $0xFFFFFC00  }
0x2b: {  	s31 =	simm.s32 $0x1440;
	[bflag:$0x0] =	sbarrier.arrive $0xFFFF  }
0x2c: {  	[spmem:s2] =	stream.indirect.scatter.add.f32 [tilespmem:s14], [sflag:$0x1], $0x8, s31, s15, $0xb8;
	[tilespmem:$0x6BC0] =	vst v63  }
0x2d: {  	s17 =	simm.s32 $0x600;
	_ =	swait.ge [sflag:s13], $0x400  }
.LBB2_2:
0x2e: {  	s18 =	sshra.s32 s17, $0x2;
	[sflag:s13] =	ssyncset.done $0x0;
	p1 =	sne.s32 s17, $0x13E00  }
.Ltmp0:
0x2f: {  	s18 =	sadd.s32 $0x13C0, s18;
	[sflag:s13] =	ssyncadd.s32 $0xFFFFFC00;
	(pc) =	sbr.rel @p1 .LBB2_2-.Ltmp0, $3  }
0x30: {  	[spmem:s2] =	stream.indirect.scatter.add.f32 [tilespmem:s14], [sflag:$0x1], $0x8, s18, s15, $0xb8;
	[tilespmem:$0x6BC0] =	vst v63  }
0x31: {  	s17 =	sadd.s32 $0x400, s17;
	_ =	sdelay $0x1  }
0x32: {  	_ =	swait.ge [sflag:s13], $0x400  }
0x33: {  	[sflag:s13] =	ssyncset.done $0x0;
	s16 =	sadd.s32 $0x1, s16  }
0x34: {  	[sflag:s13] =	ssyncadd.s32 $0xFFFFFC00;
	p1 =	sne.s32 s16, s11  }
.Ltmp1:
0x35: {  	[bflag:$0x0] =	sbarrier.arrive $0xFFFF;
	(pc) =	sbr.rel @p1 .LBB2_1-.Ltmp1, $4  }
0x36: {  	[hbm:s10], [sflag:s7] =	dma.local [spmem:s12], $0x278  }
0x37: {  	_ =	swait.ge [sflag:s13], $0x278  }
0x38: {  	[sflag:s13] =	ssyncset.done $0x0  }
0x39: {  	[sflag:s13] =	ssyncadd.s32 $0xFFFFFD88  }
0x3a: {  	_ =	sfence.sel $0x180000  }
0x3b: {  	[bflag:$0x0] =	sbarrier.arrive $0xFFFF  }
0x3c: {  	p0 =	sne.s32 s1, $0x0;
	_ =	strace $0x90000047  }
0x3d: {  	s0 =	sadd.s32 @!p0 $0x100000, s0;
	[bflag:$0x2] =	sbarrier.arrive $0xFFFF  }
0x3e: {  	[sflag:s0] =	ssyncadd.tile.s32 @!p0 $0x1;
	_ =	shalt  }
.Lfunc_end2:
_tile_overlayer_lowered:
.L_overlay_start_2:
0x3f: {  	(tag) =	ssettag $0x2  }
0x40: {  	s0 =	rddreg [dreg:$0x0];
	s2 =	stileid.u32  }
0x41: {  	s1 =	rddreg [dreg:$0x1];
	p0 =	sne.s32 s2, $0x0  }
0x42: {  	s3 =	rddreg [dreg:$0x2];
	[bflag:$0x3] =	sbarrier.arrive $0xFFFF;
	s2 =	simm.s32 @!p0 $0x1C01  }
0x43: {  	[timem:s3], [sflag:s2] =	dma.local @!p0 [hbm:s0], s1  }
0x44: {  	s0 =	simm.s32 @!p0 $0x1  }
0x45: {  	_ =	swait.ge @!p0 [sflag:s0], s1  }
0x46: {  	s1 =	ssub.s32 @!p0 $0x0, s1;
	[sflag:s0] =	ssyncset.done @!p0 $0x0  }
0x47: {  	[sflag:s0] =	ssyncadd.s32 @!p0 s1  }
0x48: {  	[bflag:$0x3] =	sbarrier.arrive $0xFFFF  }
0x49: {  	_ =	shalt  }

</sc_bundles>
